<compile_context>
chip_gen: v7x
topology: tpu7x:2x2x1
jax: 0.10.2.dev20260603
libtpu: 0.0.44.dev20260713+nightly
codegen_flags: <defaults>
</compile_context>

<pallas_src>
import functools

import numpy as np
import jax
import jax.numpy as jnp
from jax import lax
from jax.experimental import pallas as pl
from jax.experimental.pallas import tpu as pltpu
from jax.experimental.pallas import tpu_sc as plsc

_B = 16384
_NF = 26
_V = 100000
_D = 32
_NI = _NF + 1
_BNF = _B * _NF
_R = 1024

_VC = 768
_NCHV = 132
_VLAST = 128
_TAILB = 99968
_NB = 160
_G = 256
_NG = _B // _G

_TRI = np.array([i * _NI + j for i in range(_NI) for j in range(i)], dtype=np.int32)


def _sweep_gather(embT3, catT, tail):
    mesh = plsc.VectorSubcoreMesh(core_axis_name="c", subcore_axis_name="s")

    @functools.partial(
        pl.kernel,
        mesh=mesh,
        out_type=(jax.ShapeDtypeStruct((_BNF // 4, 128), jnp.float32),
                  jax.ShapeDtypeStruct((_NF * _NG, _G), jnp.int32)),
        compiler_params=pltpu.CompilerParams(needs_layout_passes=False),
        scratch_types=[
            pltpu.VMEM((128, 128), jnp.int32),
            pltpu.VMEM((16 * _NB,), jnp.int32),
            pltpu.VMEM((16 * _NB,), jnp.int32),
            pltpu.VMEM((_NB,), jnp.int32),
            pltpu.VMEM((_B + 16,), jnp.int32),
            pltpu.VMEM((_NG, _G), jnp.int32),
            pltpu.VMEM((2, _D, _VC), jnp.float32),
            pltpu.VMEM((2 * _G // 4, 128), jnp.float32),
            pltpu.SemaphoreType.DMA,
            pltpu.SemaphoreType.DMA,
        ],
    )
    def k(emb_hbm, cat_hbm, tail_hbm, srt_hbm, bidx_hbm, idx_v, hist, cur,
          goff, sortv, bidx, chunks, stag, csem, fsem):
        wid = lax.axis_index("s") * 2 + lax.axis_index("c")
        f = wid

        @pl.when(f < _NF)
        def _work():
            pltpu.sync_copy(cat_hbm.at[f], idx_v)
            lanes = lax.iota(jnp.int32, 16)
            lane_off = lanes * _NB
            zeros16 = jnp.zeros((16,), jnp.int32)
            ones16 = jnp.ones((16,), jnp.int32)

            def zh(i, _):
                hist[pl.ds(i * 16, 16)] = zeros16
                return ()
            lax.fori_loop(0, 16 * _NB // 16, zh, (), unroll=False)

            def buckets_of(i):
                v = idx_v[i >> 3, pl.ds((i & 7) * 16, 16)]
                c = jnp.minimum(((v >> 8) * 683) >> 11, 130)
                c = jnp.where(v >= _TAILB, 131, c)
                base = jnp.where(c == 131, _TAILB, c * _VC)
                voff = v - base
                return c, voff

            def h1(i, _):
                c, _voff = buckets_of(i)
                slot = lane_off + c
                cnt = plsc.load_gather(hist, [slot])
                plsc.store_scatter(hist, [slot], cnt + ones16)
                return ()
            lax.fori_loop(0, _B // 16, h1, (), unroll=False)

            def red(g, carry):
                acc = zeros16

                def rl(l, a):
                    return a + hist[pl.ds(l * _NB + g * 16, 16)]
                acc = lax.fori_loop(0, 16, rl, acc, unroll=False)
                cs = plsc.cumsum(acc)
                excl = cs - acc + jnp.full((16,), carry, jnp.int32)
                goff[pl.ds(g * 16, 16)] = excl
                def wl(l, run):
                    cur[pl.ds(l * _NB + g * 16, 16)] = run
                    return run + hist[pl.ds(l * _NB + g * 16, 16)]
                lax.fori_loop(0, 16, wl, excl, unroll=False)
                return carry + cs[15]
            lax.fori_loop(0, _NB // 16, red, jnp.int32(0), unroll=False)

            def h2(i, _):
                c, voff = buckets_of(i)
                bglob = (jnp.full((16,), i * 16, jnp.int32) + lanes) * _NF + f
                packed = (bglob << 10) | voff
                slot = lane_off + c
                pos = plsc.load_gather(cur, [slot])
                plsc.store_scatter(sortv, [pos], packed)
                plsc.store_scatter(bidx, [pos >> 8, pos & (_G - 1)], bglob)
                plsc.store_scatter(cur, [slot], pos + 1)
                return ()
            lax.fori_loop(0, _B // 16, h2, (), unroll=False)

            pltpu.async_copy(emb_hbm.at[f, :, pl.ds(0, _VC)], chunks.at[0], csem)

            def start_chunk(c, buf):
                @pl.when(c <= 129)
                def _full():
                    pltpu.async_copy(
                        emb_hbm.at[f, :, pl.ds(pl.multiple_of(c * _VC, _VC), _VC)],
                        chunks.at[buf], csem)

                @pl.when(c == 130)
                def _short():
                    pltpu.async_copy(
                        emb_hbm.at[f, :, pl.ds(130 * _VC, _VLAST)],
                        chunks.at[buf, :, pl.ds(0, _VLAST)], csem)

                @pl.when(c == 131)
                def _tail():
                    pltpu.async_copy(
                        tail_hbm.at[f],
                        chunks.at[buf, :, pl.ds(0, 128)], csem)

            def wait_chunk(c, buf):
                @pl.when(c <= 129)
                def _full():
                    pltpu.make_async_copy(
                        emb_hbm.at[f, :, pl.ds(0, _VC)],
                        chunks.at[buf], csem).wait()

                @pl.when(c == 130)
                def _short():
                    pltpu.make_async_copy(
                        emb_hbm.at[f, :, pl.ds(130 * _VC, _VLAST)],
                        chunks.at[buf, :, pl.ds(0, _VLAST)], csem).wait()

                @pl.when(c == 131)
                def _tail():
                    pltpu.make_async_copy(
                        tail_hbm.at[f],
                        chunks.at[buf, :, pl.ds(0, 128)], csem).wait()

            def sweep(c, _):
                par = c & 1

                @pl.when(c + 1 < _NCHV)
                def _pref():
                    start_chunk(c + 1, 1 - par)
                wait_chunk(c, par)

                gv = goff[pl.ds(c, 16)]
                lo = gv[0]
                hi = gv[1]
                par16 = jnp.full((16,), par, jnp.int32)

                def item(kk, packed):
                    nxt = sortv[pl.ds(kk + 1, 16)][0]
                    voff16 = jnp.full((16,), packed & 1023, jnp.int32)
                    g0 = plsc.load_gather(chunks, [par16, lanes, voff16])
                    g1 = plsc.load_gather(
                        chunks, [par16, lanes + 16, voff16])
                    kw = kk & (2 * _G - 1)
                    srow = jnp.full((16,), kw >> 2, jnp.int32)
                    l0 = jnp.full((16,), (kw & 3) * _D, jnp.int32) + lanes
                    plsc.store_scatter(stag, [srow, l0], g0)
                    plsc.store_scatter(stag, [srow, l0 + 16], g1)

                    @pl.when((kk & (_G - 1)) == (_G - 1))
                    def _flush():
                        j = kk >> 8
                        jpar = j & 1
                        dsto = pl.multiple_of((f * _B + j * _G) // 4, 64)
                        pltpu.async_copy(
                            stag.at[pl.ds(jpar * (_G // 4), _G // 4)],
                            srt_hbm.at[pl.ds(dsto, _G // 4)],
                            fsem)

                        @pl.when(j >= 1)
                        def _drain():
                            pltpu.make_async_copy(
                                stag.at[pl.ds(0, _G // 4)],
                                srt_hbm.at[pl.ds(0, _G // 4)], fsem).wait()
                    return nxt
                lax.fori_loop(lo, hi, item, sortv[pl.ds(lo, 16)][0],
                              unroll=False)
                return ()
            lax.fori_loop(0, _NCHV, sweep, (), unroll=False)
            pltpu.make_async_copy(
                stag.at[pl.ds(0, _G // 4)],
                srt_hbm.at[pl.ds(0, _G // 4)], fsem).wait()
            pltpu.sync_copy(
                bidx, bidx_hbm.at[pl.ds(pl.multiple_of(f * _NG, _NG), _NG)])

    return k(embT3, catT, tail)


def _perm_scatter(srt, bidxh):
    mesh = plsc.VectorSubcoreMesh(core_axis_name="c", subcore_axis_name="s")
    _U = 128
    upw = _BNF // _U // 32

    @functools.partial(
        pl.kernel,
        mesh=mesh,
        out_type=jax.ShapeDtypeStruct((_BNF, _D), jnp.float32),
        compiler_params=pltpu.CompilerParams(
            use_tc_tiling_on_sc=False, needs_layout_passes=False),
        scratch_types=[
            pltpu.VMEM((upw, _U), jnp.int32),
            pltpu.VMEM((2, _U, _D), jnp.float32),
            pltpu.SemaphoreType.DMA,
            pltpu.SemaphoreType.DMA,
        ],
    )
    def k(srt_hbm, bidx_hbm, out_hbm, bidx_v, bufs, lsem, ssem):
        wid = lax.axis_index("s") * 2 + lax.axis_index("c")
        g0 = wid * upw
        pltpu.sync_copy(bidx_hbm.at[pl.ds(g0, upw)], bidx_v)
        pltpu.async_copy(srt_hbm.at[pl.ds(g0 * _U, _U)], bufs.at[0], lsem)

        def body(g, _):
            par = g & 1

            @pl.when(g >= 1)
            def _drain():
                pltpu.make_async_copy(
                    bufs.at[0], out_hbm.at[bidx_v.at[0]], ssem).wait()

            @pl.when(g + 1 < upw)
            def _pref():
                pltpu.async_copy(
                    srt_hbm.at[pl.ds((g0 + g + 1) * _U, _U)],
                    bufs.at[1 - par], lsem)
            pltpu.make_async_copy(
                srt_hbm.at[pl.ds(0, _U)], bufs.at[par], lsem).wait()
            pltpu.async_copy(bufs.at[par], out_hbm.at[bidx_v.at[g]], ssem)
            return ()
        lax.fori_loop(0, upw, body, (), unroll=False)
        pltpu.make_async_copy(
            bufs.at[0], out_hbm.at[bidx_v.at[0]], ssem).wait()

    return k(srt, bidxh)


def _tc_body(num_ref, gat_ref, wb0, bb0, wb1, bb1, wb2, bb2,
             w0a, w0i, bt0, wt1, bt1, wt2, bt2, wt3, bt3, wt4, bt4,
             out_ref):
    f32 = jnp.float32
    bf16 = jnp.bfloat16
    x = num_ref[...]
    x = jnp.maximum(jnp.dot(x, wb0[...], preferred_element_type=f32) + bb0[...], 0.0)
    x = jnp.maximum(jnp.dot(x.astype(bf16), wb1[...], preferred_element_type=f32) + bb1[...], 0.0)
    bot = jnp.maximum(jnp.dot(x.astype(bf16), wb2[...], preferred_element_type=f32) + bb2[...], 0.0)
    botb = bot.astype(bf16)
    gat = gat_ref[...].astype(bf16)
    C3 = jnp.concatenate([botb, gat], axis=1).reshape(_R, _NI, _D)
    inter = lax.dot_general(C3, C3, (((2,), (2,)), ((0,), (0,))),
                            preferred_element_type=f32)
    interf = inter.reshape(_R, _NI * _NI).astype(bf16)
    y = jnp.dot(botb, w0a[...], preferred_element_type=f32)
    y = y + jnp.dot(interf, w0i[...], preferred_element_type=f32)
    y = jnp.maximum(y + bt0[...], 0.0)
    y = jnp.maximum(jnp.dot(y.astype(bf16), wt1[...], preferred_element_type=f32) + bt1[...], 0.0)
    y = jnp.maximum(jnp.dot(y.astype(bf16), wt2[...], preferred_element_type=f32) + bt2[...], 0.0)
    y = jnp.maximum(jnp.dot(y.astype(bf16), wt3[...], preferred_element_type=f32) + bt3[...], 0.0)
    out_ref[...] = jnp.dot(y.astype(bf16), wt4[...], preferred_element_type=f32) + bt4[...]


def kernel(numerical_input, categorical_inputs, emb_tables,
           W_bot_0, b_bot_0, W_bot_1, b_bot_1, W_bot_2, b_bot_2,
           W_top_0, b_top_0, W_top_1, b_top_1, W_top_2, b_top_2,
           W_top_3, b_top_3, W_top_4, b_top_4):
    bf16 = jnp.bfloat16
    embT3 = jnp.transpose(emb_tables, (0, 2, 1))
    catT = jnp.transpose(categorical_inputs).reshape(_NF, 128, _B // 128)
    tail = jnp.pad(embT3[:, :, _TAILB:], ((0, 0), (0, 0), (0, 96)))
    srt4, bidxh = _sweep_gather(embT3, catT, tail)
    gathered = _perm_scatter(srt4.reshape(_BNF, _D),
                             bidxh.reshape(_BNF // 128, 128))
    gat2 = gathered.reshape(_B, _NF * _D)

    w0a = W_top_0[:_D].astype(bf16)
    w0i = jnp.zeros((_NI * _NI, W_top_0.shape[1]), bf16)
    w0i = w0i.at[_TRI].set(W_top_0[_D:_D + _TRI.shape[0]].astype(bf16))

    row = lambda b: b.reshape(1, -1)
    grid = _B // _R
    full = lambda a: pl.BlockSpec(a.shape, lambda i: (0,) * a.ndim)
    out = pl.pallas_call(
        _tc_body,
        grid=(grid,),
        in_specs=[
            pl.BlockSpec((_R, numerical_input.shape[1]), lambda i: (i, 0)),
            pl.BlockSpec((_R, _NF * _D), lambda i: (i, 0)),
            full(W_bot_0), full(row(b_bot_0)), full(W_bot_1), full(row(b_bot_1)),
            full(W_bot_2), full(row(b_bot_2)),
            full(w0a), full(w0i), full(row(b_top_0)),
            full(W_top_1), full(row(b_top_1)), full(W_top_2), full(row(b_top_2)),
            full(W_top_3), full(row(b_top_3)), full(W_top_4), full(row(b_top_4)),
        ],
        out_specs=pl.BlockSpec((_R, 1), lambda i: (i, 0)),
        out_shape=jax.ShapeDtypeStruct((_B, 1), jnp.float32),
    )(numerical_input.astype(bf16), gat2,
      W_bot_0.astype(bf16), row(b_bot_0), W_bot_1.astype(bf16), row(b_bot_1),
      W_bot_2.astype(bf16), row(b_bot_2),
      w0a, w0i, row(b_top_0), W_top_1.astype(bf16), row(b_top_1),
      W_top_2.astype(bf16), row(b_top_2),
      W_top_3.astype(bf16), row(b_top_3), W_top_4.astype(bf16), row(b_top_4))
    return out

# --- scband reference (transcript-rebuilt; emitter-appended) ---
"""Pipeline reference for scband-dlrm-62861141344492 (READ-ONLY COPY).

The authoritative reference and input builder live on the scoring server;
editing this copy changes nothing except your own understanding.
"""

import jax, jax.numpy as jnp
import numpy as np

B = 16384
NUM = 13
NF = 26
V = 100000
D = 32
BOT = [512, 256, 32]
TOP = [1024, 1024, 512, 256, 1]
NI = NF + 1
TRIL_I = np.array([i for i in range(NI) for j in range(i)], dtype=np.int32)
TRIL_J = np.array([j for i in range(NI) for j in range(i)], dtype=np.int32)


def setup_inputs(seed: int = 0) -> dict:
    key = jax.random.key(seed)
    ks = jax.random.split(key, 64)
    inp = {}
    inp['numerical_input'] = jax.random.normal(ks[0], (B, NUM), dtype=jnp.float32)
    inp['categorical_inputs'] = jax.random.randint(ks[1], (B, NF), 0, V, dtype=jnp.int32)
    s = float(np.sqrt(1.0 / V))
    inp['emb_tables'] = jax.random.uniform(ks[2], (NF, V, D), dtype=jnp.float32, minval=-s, maxval=s)
    kidx = 3
    in_dim = NUM
    for i, out_dim in enumerate(BOT):
        std_w = float(np.sqrt(2.0 / (in_dim + out_dim)))
        std_b = float(np.sqrt(1.0 / out_dim))
        inp['W_bot_%d' % i] = jax.random.normal(ks[kidx], (in_dim, out_dim), dtype=jnp.float32) * std_w
        inp['b_bot_%d' % i] = jax.random.normal(ks[kidx + 1], (out_dim,), dtype=jnp.float32) * std_b
        kidx += 2
        in_dim = out_dim
    num_interactions = NI * (NI - 1) // 2 + D
    in_dim = num_interactions + 1
    for i, out_dim in enumerate(TOP):
        std_w = float(np.sqrt(2.0 / (in_dim + out_dim)))
        std_b = float(np.sqrt(1.0 / out_dim))
        W = jax.random.normal(ks[kidx], (in_dim, out_dim), dtype=jnp.float32) * std_w
        if i == 0:
            W = W.at[-1, :].set(0.0)
        inp['W_top_%d' % i] = W
        inp['b_top_%d' % i] = jax.random.normal(ks[kidx + 1], (out_dim,), dtype=jnp.float32) * std_b
        kidx += 2
        in_dim = out_dim
    return inp


def _forward(numerical_input, categorical_inputs, emb_tables, bot_params, top_params):
    x = numerical_input
    for W, b in bot_params:
        x = jax.nn.relu(x @ W + b)
    bot = x
    gathered = jnp.stack([jnp.take(emb_tables[f], categorical_inputs[:, f], axis=0) for f in range(NF)], axis=1)
    concat = jnp.concatenate([bot[:, None, :], gathered], axis=1)
    inter = jnp.einsum('bnd,bmd->bnm', concat, concat)
    flat = inter[:, TRIL_I, TRIL_J]
    pad = jnp.zeros((bot.shape[0], 1), dtype=bot.dtype)
    y = jnp.concatenate([bot, flat, pad], axis=1)
    n_top = len(top_params)
    for i, (W, b) in enumerate(top_params):
        y = y @ W + b
        if i < n_top - 1:
            y = jax.nn.relu(y)
    return y


def reference(numerical_input, categorical_inputs, emb_tables, W_bot_0, b_bot_0, W_bot_1, b_bot_1, W_bot_2, b_bot_2, W_top_0, b_top_0, W_top_1, b_top_1, W_top_2, b_top_2, W_top_3, b_top_3, W_top_4, b_top_4):
    bot_params = [(W_bot_0, b_bot_0), (W_bot_1, b_bot_1), (W_bot_2, b_bot_2)]
    top_params = [(W_top_0, b_top_0), (W_top_1, b_top_1), (W_top_2, b_top_2), (W_top_3, b_top_3), (W_top_4, b_top_4)]
    return _forward(numerical_input, categorical_inputs, emb_tables, bot_params, top_params)

if __name__ == "__main__":
    import jax
    _d = setup_inputs()
    print(jax.jit(kernel)(*tuple(_d.values())))

</pallas_src>

<mosaic_0001>
#map = affine_map<(d0, d1) -> (0, 0)>
module attributes {stable_mosaic.version = 14 : i64} {
  func.func @k(%arg0: i32, %arg1: i32, %arg2: memref<425984x32xf32, #tpu.memory_space<hbm>>, %arg3: memref<3328x128xi32, #tpu.memory_space<hbm>>, %arg4: memref<425984x32xf32, #tpu.memory_space<hbm>>, %arg5: memref<104x128xi32, #tpu.memory_space<vmem>>, %arg6: memref<2x128x32xf32, #tpu.memory_space<vmem>>, %arg7: memref<!tpu.dma_semaphore, #tpu.memory_space<semaphore_mem>>, %arg8: memref<!tpu.dma_semaphore, #tpu.memory_space<semaphore_mem>>) attributes {dimension_semantics = [#tpu.dimension_semantics<core_parallel>, #tpu.dimension_semantics<subcore_parallel>], iteration_bounds = array<i64: 2, 16>, scalar_prefetch = 0 : i64, scratch_operands = 4 : i64, tpu.core_type = #tpu.core_type<sc_vector_subcore>, window_params = [{transform_indices = #map}, {transform_indices = #map}, {transform_indices = #map}]} {
    %mul3A = arith.constant 2 : i32
    %mul3A_0 = arith.muli %arg1, %mul3A : i32
    %add3A = arith.addi %mul3A_0, %arg0 : i32
    %mul3A_1 = arith.constant 104 : i32
    %mul3A_2 = arith.muli %add3A, %mul3A_1 : i32
    "tpu.region"() ({
      %run_scoped3A = tpu.sem_alloc : memref<!tpu.dma_semaphore, #tpu.memory_space<semaphore_mem>>
      %dma_start3A_32 = arith.constant 0 : i32
      %dma_start3A_33 = tpu.memref_slice %arg3[%mul3A_2, %dma_start3A_32] : memref<3328x128xi32, #tpu.memory_space<hbm>> -> memref<104x128xi32, #tpu.memory_space<hbm>>
      %dma_start3A_34 = arith.constant 0 : i32
      %dma_start3A_35 = tpu.memref_slice %arg3[%mul3A_2, %dma_start3A_34] : memref<3328x128xi32, #tpu.memory_space<hbm>> -> memref<104x128xi32, #tpu.memory_space<hbm>>
      tpu.enqueue_dma source(%dma_start3A_35 : memref<104x128xi32, #tpu.memory_space<hbm>>) target(%arg5 : memref<104x128xi32, #tpu.memory_space<vmem>>) target_semaphore(%run_scoped3A : memref<!tpu.dma_semaphore, #tpu.memory_space<semaphore_mem>>)
      %dma_wait3A_36 = arith.constant 0 : i32
      %dma_wait3A_37 = tpu.memref_slice %arg3[%mul3A_2, %dma_wait3A_36] : memref<3328x128xi32, #tpu.memory_space<hbm>> -> memref<104x128xi32, #tpu.memory_space<hbm>>
      %dma_wait3A_38 = arith.constant 0 : i32
      %dma_wait3A_39 = tpu.memref_slice %arg3[%mul3A_2, %dma_wait3A_38] : memref<3328x128xi32, #tpu.memory_space<hbm>> -> memref<104x128xi32, #tpu.memory_space<hbm>>
      tpu.wait_dma2 semaphore(%run_scoped3A : memref<!tpu.dma_semaphore, #tpu.memory_space<semaphore_mem>>) src(%dma_wait3A_39 : memref<104x128xi32, #tpu.memory_space<hbm>>) dst(%arg5 : memref<104x128xi32, #tpu.memory_space<vmem>>)
      tpu.yield
    }) : () -> ()
    %mul3A_3 = arith.constant 128 : i32
    %mul3A_4 = arith.muli %mul3A_2, %mul3A_3 : i32
    %dma_start3A = arith.constant 0 : i32
    %dma_start3A_5 = arith.constant 0 : i32
    %dma_start3A_6 = arith.constant 0 : i32
    %dma_start3A_7 = tpu.memref_slice %arg6[%dma_start3A, %dma_start3A_5, %dma_start3A_6] : memref<2x128x32xf32, #tpu.memory_space<vmem>> -> memref<1x128x32xf32, #tpu.memory_space<vmem>>
    %dma_start3A_8 = tpu.memref_squeeze %dma_start3A_7 : memref<1x128x32xf32, #tpu.memory_space<vmem>> -> memref<128x32xf32, #tpu.memory_space<vmem>>
    %dma_start3A_9 = arith.constant 0 : i32
    %dma_start3A_10 = tpu.memref_slice %arg2[%mul3A_4, %dma_start3A_9] : memref<425984x32xf32, #tpu.memory_space<hbm>> -> memref<128x32xf32, #tpu.memory_space<hbm>>
    %dma_start3A_11 = arith.constant 0 : i32
    %dma_start3A_12 = arith.constant 0 : i32
    %dma_start3A_13 = tpu.memref_slice %arg6[%dma_start3A, %dma_start3A_11, %dma_start3A_12] : memref<2x128x32xf32, #tpu.memory_space<vmem>> -> memref<1x128x32xf32, #tpu.memory_space<vmem>>
    %dma_start3A_14 = tpu.memref_squeeze %dma_start3A_13 : memref<1x128x32xf32, #tpu.memory_space<vmem>> -> memref<128x32xf32, #tpu.memory_space<vmem>>
    %dma_start3A_15 = arith.constant 0 : i32
    %dma_start3A_16 = tpu.memref_slice %arg2[%mul3A_4, %dma_start3A_15] : memref<425984x32xf32, #tpu.memory_space<hbm>> -> memref<128x32xf32, #tpu.memory_space<hbm>>
    tpu.enqueue_dma source(%dma_start3A_16 : memref<128x32xf32, #tpu.memory_space<hbm>>) target(%dma_start3A_14 : memref<128x32xf32, #tpu.memory_space<vmem>>) target_semaphore(%arg7 : memref<!tpu.dma_semaphore, #tpu.memory_space<semaphore_mem>>)
    %scan3A = arith.constant 0 : i32
    %scan3A_17 = arith.constant 104 : i32
    %scan3A_18 = arith.addi %scan3A, %scan3A_17 : i32
    %scan3A_19 = arith.constant 1 : i32
    scf.for %scan3A_32 = %scan3A to %scan3A_18 step %scan3A_19  : i32 {
      %and3A = arith.constant 1 : i32
      %and3A_33 = arith.andi %scan3A_32, %and3A : i32
      %ge3A = arith.constant 1 : i32
      %ge3A_34 = arith.cmpi sge, %scan3A_32, %ge3A : i32
      %convert_element_type3A = arith.extui %ge3A_34 : i1 to i32
      %cond3A = arith.constant 0 : i32
      %cond3A_35 = arith.cmpi ne, %convert_element_type3A, %cond3A : i32
      scf.if %cond3A_35 {
        %dma_wait3A_66 = arith.constant 0 : i32
        %dma_wait3A_67 = arith.constant 0 : i32
        %dma_wait3A_68 = arith.constant 0 : i32
        %dma_wait3A_69 = arith.constant 0 : i32
        %dma_wait3A_70 = tpu.memref_slice %arg6[%dma_wait3A_66, %dma_wait3A_68, %dma_wait3A_69] : memref<2x128x32xf32, #tpu.memory_space<vmem>> -> memref<1x128x32xf32, #tpu.memory_space<vmem>>
        %dma_wait3A_71 = tpu.memref_squeeze %dma_wait3A_70 : memref<1x128x32xf32, #tpu.memory_space<vmem>> -> memref<128x32xf32, #tpu.memory_space<vmem>>
        %dma_wait3A_72 = arith.constant 0 : i32
        %dma_wait3A_73 = tpu.memref_slice %arg5[%dma_wait3A_67, %dma_wait3A_72] : memref<104x128xi32, #tpu.memory_space<vmem>> -> memref<1x128xi32, #tpu.memory_space<vmem>>
        %dma_wait3A_74 = tpu.memref_squeeze %dma_wait3A_73 : memref<1x128xi32, #tpu.memory_space<vmem>> -> memref<128xi32, #tpu.memory_space<vmem>>
        %dma_wait3A_75 = arith.constant 0 : i32
        %dma_wait3A_76 = arith.constant 0 : i32
        %dma_wait3A_77 = tpu.memref_slice %arg4[%dma_wait3A_75, %dma_wait3A_76] : memref<425984x32xf32, #tpu.memory_space<hbm>> -> memref<425984x32xf32, #tpu.memory_space<hbm>>
        tpu.wait_indirect_dma semaphore(%arg8 : memref<!tpu.dma_semaphore, #tpu.memory_space<semaphore_mem>>) src(%dma_wait3A_71 : memref<128x32xf32, #tpu.memory_space<vmem>>) dst(%dma_wait3A_77 : memref<425984x32xf32, #tpu.memory_space<hbm>>)
      } else {
      }
      %add3A_36 = arith.constant 1 : i32
      %add3A_37 = arith.addi %scan3A_32, %add3A_36 : i32
      %lt3A = arith.constant 104 : i32
      %lt3A_38 = arith.cmpi slt, %add3A_37, %lt3A : i32
      %convert_element_type3A_39 = arith.extui %lt3A_38 : i1 to i32
      %cond3A_40 = arith.constant 0 : i32
      %cond3A_41 = arith.cmpi ne, %convert_element_type3A_39, %cond3A_40 : i32
      scf.if %cond3A_41 {
        %add3A_66 = arith.addi %mul3A_2, %scan3A_32 : i32
        %add3A_67 = arith.constant 1 : i32
        %add3A_68 = arith.addi %add3A_66, %add3A_67 : i32
        %mul3A_69 = arith.constant 128 : i32
        %mul3A_70 = arith.muli %add3A_68, %mul3A_69 : i32
        %sub3A = arith.constant 1 : i32
        %sub3A_71 = arith.subi %sub3A, %and3A_33 : i32
        %dma_start3A_72 = arith.constant 0 : i32
        %dma_start3A_73 = arith.constant 0 : i32
        %dma_start3A_74 = tpu.memref_slice %arg6[%sub3A_71, %dma_start3A_72, %dma_start3A_73] : memref<2x128x32xf32, #tpu.memory_space<vmem>> -> memref<1x128x32xf32, #tpu.memory_space<vmem>>
        %dma_start3A_75 = tpu.memref_squeeze %dma_start3A_74 : memref<1x128x32xf32, #tpu.memory_space<vmem>> -> memref<128x32xf32, #tpu.memory_space<vmem>>
        %dma_start3A_76 = arith.constant 0 : i32
        %dma_start3A_77 = tpu.memref_slice %arg2[%mul3A_70, %dma_start3A_76] : memref<425984x32xf32, #tpu.memory_space<hbm>> -> memref<128x32xf32, #tpu.memory_space<hbm>>
        %dma_start3A_78 = arith.constant 0 : i32
        %dma_start3A_79 = arith.constant 0 : i32
        %dma_start3A_80 = tpu.memref_slice %arg6[%sub3A_71, %dma_start3A_78, %dma_start3A_79] : memref<2x128x32xf32, #tpu.memory_space<vmem>> -> memref<1x128x32xf32, #tpu.memory_space<vmem>>
        %dma_start3A_81 = tpu.memref_squeeze %dma_start3A_80 : memref<1x128x32xf32, #tpu.memory_space<vmem>> -> memref<128x32xf32, #tpu.memory_space<vmem>>
        %dma_start3A_82 = arith.constant 0 : i32
        %dma_start3A_83 = tpu.memref_slice %arg2[%mul3A_70, %dma_start3A_82] : memref<425984x32xf32, #tpu.memory_space<hbm>> -> memref<128x32xf32, #tpu.memory_space<hbm>>
        tpu.enqueue_dma source(%dma_start3A_83 : memref<128x32xf32, #tpu.memory_space<hbm>>) target(%dma_start3A_81 : memref<128x32xf32, #tpu.memory_space<vmem>>) target_semaphore(%arg7 : memref<!tpu.dma_semaphore, #tpu.memory_space<semaphore_mem>>)
      } else {
      }
      %dma_wait3A_42 = arith.constant 0 : i32
      %dma_wait3A_43 = arith.constant 0 : i32
      %dma_wait3A_44 = tpu.memref_slice %arg6[%and3A_33, %dma_wait3A_42, %dma_wait3A_43] : memref<2x128x32xf32, #tpu.memory_space<vmem>> -> memref<1x128x32xf32, #tpu.memory_space<vmem>>
      %dma_wait3A_45 = tpu.memref_squeeze %dma_wait3A_44 : memref<1x128x32xf32, #tpu.memory_space<vmem>> -> memref<128x32xf32, #tpu.memory_space<vmem>>
      %dma_wait3A_46 = arith.constant 0 : i32
      %dma_wait3A_47 = arith.constant 0 : i32
      %dma_wait3A_48 = tpu.memref_slice %arg2[%dma_wait3A_46, %dma_wait3A_47] : memref<425984x32xf32, #tpu.memory_space<hbm>> -> memref<128x32xf32, #tpu.memory_space<hbm>>
      %dma_wait3A_49 = arith.constant 0 : i32
      %dma_wait3A_50 = arith.constant 0 : i32
      %dma_wait3A_51 = tpu.memref_slice %arg6[%and3A_33, %dma_wait3A_49, %dma_wait3A_50] : memref<2x128x32xf32, #tpu.memory_space<vmem>> -> memref<1x128x32xf32, #tpu.memory_space<vmem>>
      %dma_wait3A_52 = tpu.memref_squeeze %dma_wait3A_51 : memref<1x128x32xf32, #tpu.memory_space<vmem>> -> memref<128x32xf32, #tpu.memory_space<vmem>>
      %dma_wait3A_53 = arith.constant 0 : i32
      %dma_wait3A_54 = arith.constant 0 : i32
      %dma_wait3A_55 = tpu.memref_slice %arg2[%dma_wait3A_53, %dma_wait3A_54] : memref<425984x32xf32, #tpu.memory_space<hbm>> -> memref<128x32xf32, #tpu.memory_space<hbm>>
      tpu.wait_dma2 semaphore(%arg7 : memref<!tpu.dma_semaphore, #tpu.memory_space<semaphore_mem>>) src(%dma_wait3A_55 : memref<128x32xf32, #tpu.memory_space<hbm>>) dst(%dma_wait3A_52 : memref<128x32xf32, #tpu.memory_space<vmem>>)
      %dma_start3A_56 = arith.constant 0 : i32
      %dma_start3A_57 = arith.constant 0 : i32
      %dma_start3A_58 = tpu.memref_slice %arg6[%and3A_33, %dma_start3A_56, %dma_start3A_57] : memref<2x128x32xf32, #tpu.memory_space<vmem>> -> memref<1x128x32xf32, #tpu.memory_space<vmem>>
      %dma_start3A_59 = tpu.memref_squeeze %dma_start3A_58 : memref<1x128x32xf32, #tpu.memory_space<vmem>> -> memref<128x32xf32, #tpu.memory_space<vmem>>
      %dma_start3A_60 = arith.constant 0 : i32
      %dma_start3A_61 = tpu.memref_slice %arg5[%scan3A_32, %dma_start3A_60] : memref<104x128xi32, #tpu.memory_space<vmem>> -> memref<1x128xi32, #tpu.memory_space<vmem>>
      %dma_start3A_62 = tpu.memref_squeeze %dma_start3A_61 : memref<1x128xi32, #tpu.memory_space<vmem>> -> memref<128xi32, #tpu.memory_space<vmem>>
      %dma_start3A_63 = arith.constant 0 : i32
      %dma_start3A_64 = arith.constant 0 : i32
      %dma_start3A_65 = tpu.memref_slice %arg4[%dma_start3A_63, %dma_start3A_64] : memref<425984x32xf32, #tpu.memory_space<hbm>> -> memref<425984x32xf32, #tpu.memory_space<hbm>>
      tpu.enqueue_indirect_dma source(%dma_start3A_59 : memref<128x32xf32, #tpu.memory_space<vmem>>) target(%dma_start3A_65 : memref<425984x32xf32, #tpu.memory_space<hbm>>) offsets(%dma_start3A_62 : memref<128xi32, #tpu.memory_space<vmem>>) semaphore(%arg8 : memref<!tpu.dma_semaphore, #tpu.memory_space<semaphore_mem>>)
    }
    %scan3A_20 = arith.constant 104 : i32
    %dma_wait3A = arith.constant 0 : i32
    %dma_wait3A_21 = arith.constant 0 : i32
    %dma_wait3A_22 = arith.constant 0 : i32
    %dma_wait3A_23 = arith.constant 0 : i32
    %dma_wait3A_24 = tpu.memref_slice %arg6[%dma_wait3A, %dma_wait3A_22, %dma_wait3A_23] : memref<2x128x32xf32, #tpu.memory_space<vmem>> -> memref<1x128x32xf32, #tpu.memory_space<vmem>>
    %dma_wait3A_25 = tpu.memref_squeeze %dma_wait3A_24 : memref<1x128x32xf32, #tpu.memory_space<vmem>> -> memref<128x32xf32, #tpu.memory_space<vmem>>
    %dma_wait3A_26 = arith.constant 0 : i32
    %dma_wait3A_27 = tpu.memref_slice %arg5[%dma_wait3A_21, %dma_wait3A_26] : memref<104x128xi32, #tpu.memory_space<vmem>> -> memref<1x128xi32, #tpu.memory_space<vmem>>
    %dma_wait3A_28 = tpu.memref_squeeze %dma_wait3A_27 : memref<1x128xi32, #tpu.memory_space<vmem>> -> memref<128xi32, #tpu.memory_space<vmem>>
    %dma_wait3A_29 = arith.constant 0 : i32
    %dma_wait3A_30 = arith.constant 0 : i32
    %dma_wait3A_31 = tpu.memref_slice %arg4[%dma_wait3A_29, %dma_wait3A_30] : memref<425984x32xf32, #tpu.memory_space<hbm>> -> memref<425984x32xf32, #tpu.memory_space<hbm>>
    tpu.wait_indirect_dma semaphore(%arg8 : memref<!tpu.dma_semaphore, #tpu.memory_space<semaphore_mem>>) src(%dma_wait3A_25 : memref<128x32xf32, #tpu.memory_space<vmem>>) dst(%dma_wait3A_31 : memref<425984x32xf32, #tpu.memory_space<hbm>>)
    return
  }
}

#map = affine_map<(d0, d1) -> (0, 0, 0)>
#map1 = affine_map<(d0, d1) -> (0, 0)>
module attributes {stable_mosaic.version = 14 : i64} {
  func.func @k(%arg0: i32, %arg1: i32, %arg2: memref<26x32x100000xf32, #tpu.memory_space<hbm>>, %arg3: memref<26x128x128xi32, #tpu.memory_space<hbm>>, %arg4: memref<26x32x128xf32, #tpu.memory_space<hbm>>, %arg5: memref<106496x128xf32, #tpu.memory_space<hbm>>, %arg6: memref<1664x256xi32, #tpu.memory_space<hbm>>, %arg7: memref<128x128xi32, #tpu.memory_space<vmem>>, %arg8: memref<2560xi32, #tpu.memory_space<vmem>>, %arg9: memref<2560xi32, #tpu.memory_space<vmem>>, %arg10: memref<160xi32, #tpu.memory_space<vmem>>, %arg11: memref<16400xi32, #tpu.memory_space<vmem>>, %arg12: memref<64x256xi32, #tpu.memory_space<vmem>>, %arg13: memref<2x32x768xf32, #tpu.memory_space<vmem>>, %arg14: memref<128x128xf32, #tpu.memory_space<vmem>>, %arg15: memref<!tpu.dma_semaphore, #tpu.memory_space<semaphore_mem>>, %arg16: memref<!tpu.dma_semaphore, #tpu.memory_space<semaphore_mem>>) attributes {dimension_semantics = [#tpu.dimension_semantics<core_parallel>, #tpu.dimension_semantics<subcore_parallel>], iteration_bounds = array<i64: 2, 16>, scalar_prefetch = 0 : i64, scratch_operands = 10 : i64, tpu.core_type = #tpu.core_type<sc_vector_subcore>, window_params = [{transform_indices = #map}, {transform_indices = #map}, {transform_indices = #map}, {transform_indices = #map1}, {transform_indices = #map1}]} {
    %mul3A = arith.constant 2 : i32
    %mul3A_0 = arith.muli %arg1, %mul3A : i32
    %add3A = arith.addi %mul3A_0, %arg0 : i32
    %lt3A = arith.constant 26 : i32
    %lt3A_1 = arith.cmpi slt, %add3A, %lt3A : i32
    %convert_element_type3A = arith.extui %lt3A_1 : i1 to i32
    %cond3A = arith.constant 0 : i32
    %cond3A_2 = arith.cmpi ne, %convert_element_type3A, %cond3A : i32
    scf.if %cond3A_2 {
      "tpu.region"() ({
        %run_scoped3A = tpu.sem_alloc : memref<!tpu.dma_semaphore, #tpu.memory_space<semaphore_mem>>
        %dma_start3A_64 = arith.constant 0 : i32
        %dma_start3A_65 = arith.constant 0 : i32
        %dma_start3A_66 = tpu.memref_slice %arg3[%add3A, %dma_start3A_64, %dma_start3A_65] : memref<26x128x128xi32, #tpu.memory_space<hbm>> -> memref<1x128x128xi32, #tpu.memory_space<hbm>>
        %dma_start3A_67 = tpu.memref_squeeze %dma_start3A_66 : memref<1x128x128xi32, #tpu.memory_space<hbm>> -> memref<128x128xi32, #tpu.memory_space<hbm>>
        %dma_start3A_68 = arith.constant 0 : i32
        %dma_start3A_69 = arith.constant 0 : i32
        %dma_start3A_70 = tpu.memref_slice %arg3[%add3A, %dma_start3A_68, %dma_start3A_69] : memref<26x128x128xi32, #tpu.memory_space<hbm>> -> memref<1x128x128xi32, #tpu.memory_space<hbm>>
        %dma_start3A_71 = tpu.memref_squeeze %dma_start3A_70 : memref<1x128x128xi32, #tpu.memory_space<hbm>> -> memref<128x128xi32, #tpu.memory_space<hbm>>
        tpu.enqueue_dma source(%dma_start3A_71 : memref<128x128xi32, #tpu.memory_space<hbm>>) target(%arg7 : memref<128x128xi32, #tpu.memory_space<vmem>>) target_semaphore(%run_scoped3A : memref<!tpu.dma_semaphore, #tpu.memory_space<semaphore_mem>>)
        %dma_wait3A_72 = arith.constant 0 : i32
        %dma_wait3A_73 = arith.constant 0 : i32
        %dma_wait3A_74 = tpu.memref_slice %arg3[%add3A, %dma_wait3A_72, %dma_wait3A_73] : memref<26x128x128xi32, #tpu.memory_space<hbm>> -> memref<1x128x128xi32, #tpu.memory_space<hbm>>
        %dma_wait3A_75 = tpu.memref_squeeze %dma_wait3A_74 : memref<1x128x128xi32, #tpu.memory_space<hbm>> -> memref<128x128xi32, #tpu.memory_space<hbm>>
        %dma_wait3A_76 = arith.constant 0 : i32
        %dma_wait3A_77 = arith.constant 0 : i32
        %dma_wait3A_78 = tpu.memref_slice %arg3[%add3A, %dma_wait3A_76, %dma_wait3A_77] : memref<26x128x128xi32, #tpu.memory_space<hbm>> -> memref<1x128x128xi32, #tpu.memory_space<hbm>>
        %dma_wait3A_79 = tpu.memref_squeeze %dma_wait3A_78 : memref<1x128x128xi32, #tpu.memory_space<hbm>> -> memref<128x128xi32, #tpu.memory_space<hbm>>
        tpu.wait_dma2 semaphore(%run_scoped3A : memref<!tpu.dma_semaphore, #tpu.memory_space<semaphore_mem>>) src(%dma_wait3A_79 : memref<128x128xi32, #tpu.memory_space<hbm>>) dst(%arg7 : memref<128x128xi32, #tpu.memory_space<vmem>>)
        tpu.yield
      }) : () -> ()
      %iota3A = tpu.iota {dimensions = array<i32: 0>} : vector<16xi32>
      %mul3A_3 = arith.constant 160 : i32
      %mul3A_4 = vector.broadcast %mul3A_3 : i32 to vector<16xi32>
      %mul3A_5 = arith.muli %iota3A, %mul3A_4 : vector<16xi32>
      %broadcast_in_dim3A = arith.constant 0 : i32
      %broadcast_in_dim3A_6 = vector.broadcast %broadcast_in_dim3A : i32 to vector<16xi32>
      %broadcast_in_dim3A_7 = arith.constant 1 : i32
      %broadcast_in_dim3A_8 = vector.broadcast %broadcast_in_dim3A_7 : i32 to vector<16xi32>
      %scan3A = arith.constant 0 : i32
      %scan3A_9 = arith.constant 160 : i32
      %scan3A_10 = arith.addi %scan3A, %scan3A_9 : i32
      %scan3A_11 = arith.constant 1 : i32
      scf.for %scan3A_64 = %scan3A to %scan3A_10 step %scan3A_11  : i32 {
        %mul3A_65 = arith.constant 16 : i32
        %mul3A_66 = arith.muli %scan3A_64, %mul3A_65 : i32
        %swap3A = arith.index_cast %mul3A_66 : i32 to index
        %swap3A_67 = tpu.vector_load %arg8[%swap3A] {strides = array<i32>} : memref<2560xi32, #tpu.memory_space<vmem>>, vector<16xi32>,
        tpu.vector_store %arg8[%swap3A], %broadcast_in_dim3A_6 {strides = array<i32>} : memref<2560xi32, #tpu.memory_space<vmem>>, vector<16xi32>,
      }
      %scan3A_12 = arith.constant 160 : i32
      %scan3A_13 = arith.constant 0 : i32
      %scan3A_14 = arith.constant 1024 : i32
      %scan3A_15 = arith.addi %scan3A_13, %scan3A_14 : i32
      %scan3A_16 = arith.constant 1 : i32
      scf.for %scan3A_64 = %scan3A_13 to %scan3A_15 step %scan3A_16  : i32 {
        %shift_right_arithmetic3A = arith.constant 3 : i32
        %shift_right_arithmetic3A_65 = arith.shrsi %scan3A_64, %shift_right_arithmetic3A : i32
        %and3A = arith.constant 7 : i32
        %and3A_66 = arith.andi %scan3A_64, %and3A : i32
        %mul3A_67 = arith.constant 16 : i32
        %mul3A_68 = arith.muli %and3A_66, %mul3A_67 : i32
        %get3A = arith.index_cast %shift_right_arithmetic3A_65 : i32 to index
        %get3A_69 = arith.index_cast %mul3A_68 : i32 to index
        %get3A_70 = tpu.vector_load %arg7[%get3A, %get3A_69] {strides = array<i32>} : memref<128x128xi32, #tpu.memory_space<vmem>>, vector<16xi32>,
        %shift_right_arithmetic3A_71 = arith.constant 8 : i32
        %shift_right_arithmetic3A_72 = vector.broadcast %shift_right_arithmetic3A_71 : i32 to vector<16xi32>
        %shift_right_arithmetic3A_73 = arith.shrsi %get3A_70, %shift_right_arithmetic3A_72 : vector<16xi32>
        %mul3A_74 = arith.constant 683 : i32
        %mul3A_75 = vector.broadcast %mul3A_74 : i32 to vector<16xi32>
        %mul3A_76 = arith.muli %shift_right_arithmetic3A_73, %mul3A_75 : vector<16xi32>
        %shift_right_arithmetic3A_77 = arith.constant 11 : i32
        %shift_right_arithmetic3A_78 = vector.broadcast %shift_right_arithmetic3A_77 : i32 to vector<16xi32>
        %shift_right_arithmetic3A_79 = arith.shrsi %mul3A_76, %shift_right_arithmetic3A_78 : vector<16xi32>
        %min3A = arith.constant 130 : i32
        %min3A_80 = vector.broadcast %min3A : i32 to vector<16xi32>
        %min3A_81 = arith.minsi %shift_right_arithmetic3A_79, %min3A_80 : vector<16xi32>
        %ge3A = arith.constant 99968 : i32
        %ge3A_82 = vector.broadcast %ge3A : i32 to vector<16xi32>
        %ge3A_83 = arith.cmpi sge, %get3A_70, %ge3A_82 : vector<16xi32>
        %jit3A = arith.constant 131 : i32
        %broadcast_in_dim3A_84 = vector.broadcast %jit3A : i32 to vector<16xi32>
        %select_n3A = arith.select %ge3A_83, %broadcast_in_dim3A_84, %min3A_81 : vector<16xi1>, vector<16xi32>
        %eq3A = arith.constant 131 : i32
        %eq3A_85 = vector.broadcast %eq3A : i32 to vector<16xi32>
        %eq3A_86 = arith.cmpi eq, %select_n3A, %eq3A_85 : vector<16xi32>
        %mul3A_87 = arith.constant 768 : i32
        %mul3A_88 = vector.broadcast %mul3A_87 : i32 to vector<16xi32>
        %mul3A_89 = arith.muli %select_n3A, %mul3A_88 : vector<16xi32>
        %jit3A_90 = arith.constant 99968 : i32
        %broadcast_in_dim3A_91 = vector.broadcast %jit3A_90 : i32 to vector<16xi32>
        %select_n3A_92 = arith.select %eq3A_86, %broadcast_in_dim3A_91, %mul3A_89 : vector<16xi1>, vector<16xi32>
        %sub3A = arith.subi %get3A_70, %select_n3A_92 : vector<16xi32>
        %add3A_93 = arith.addi %mul3A_5, %select_n3A : vector<16xi32>
        %gather3A = tpu.vector_load_idx %arg8[%add3A_93] : memref<2560xi32, #tpu.memory_space<vmem>>[vector<16xi32>], vector<16xi32>,
        %add3A_94 = arith.addi %gather3A, %broadcast_in_dim3A_8 : vector<16xi32>
        tpu.vector_store_idx %arg8[%add3A_93], %add3A_94 : memref<2560xi32, #tpu.memory_space<vmem>>[vector<16xi32>], vector<16xi32>,
      }
      %scan3A_17 = arith.constant 1024 : i32
      %scan3A_18 = arith.constant 0 : i32
      %scan3A_19 = arith.constant 0 : i32
      %scan3A_20 = arith.constant 10 : i32
      %scan3A_21 = arith.addi %scan3A_19, %scan3A_20 : i32
      %scan3A_22 = arith.constant 1 : i32
      %scan3A_23 = scf.for %scan3A_64 = %scan3A_19 to %scan3A_21 step %scan3A_22 iter_args(%scan3A_65 = %scan3A_18) -> (i32)  : i32 {
        %scan3A_66 = arith.constant 0 : i32
        %scan3A_67 = arith.constant 16 : i32
        %scan3A_68 = arith.addi %scan3A_66, %scan3A_67 : i32
        %scan3A_69 = arith.constant 1 : i32
        %scan3A_70 = scf.for %scan3A_86 = %scan3A_66 to %scan3A_68 step %scan3A_69 iter_args(%scan3A_87 = %broadcast_in_dim3A_6) -> (vector<16xi32>)  : i32 {
          %mul3A_88 = arith.constant 160 : i32
          %mul3A_89 = arith.muli %scan3A_86, %mul3A_88 : i32
          %mul3A_90 = arith.constant 16 : i32
          %mul3A_91 = arith.muli %scan3A_64, %mul3A_90 : i32
          %add3A_92 = arith.addi %mul3A_89, %mul3A_91 : i32
          %get3A = arith.index_cast %add3A_92 : i32 to index
          %get3A_93 = tpu.vector_load %arg8[%get3A] {strides = array<i32>} : memref<2560xi32, #tpu.memory_space<vmem>>, vector<16xi32>,
          %add3A_94 = arith.addi %scan3A_87, %get3A_93 : vector<16xi32>
          scf.yield %add3A_94 : vector<16xi32>
        }
        %scan3A_71 = arith.constant 16 : i32
        %broadcast_in_dim3A_72 = arith.constant true
        %broadcast_in_dim3A_73 = vector.broadcast %broadcast_in_dim3A_72 : i1 to vector<16xi1>
        %masked_cumsum3A = tpu.scan <sum>, %scan3A_70 masked %broadcast_in_dim3A_73 : vector<16xi32>, vector<16xi1> -> vector<16xi32>
        %sub3A = arith.subi %masked_cumsum3A, %scan3A_70 : vector<16xi32>
        %broadcast_in_dim3A_74 = vector.broadcast %scan3A_65 : i32 to vector<16xi32>
        %add3A_75 = arith.addi %sub3A, %broadcast_in_dim3A_74 : vector<16xi32>
        %mul3A_76 = arith.constant 16 : i32
        %mul3A_77 = arith.muli %scan3A_64, %mul3A_76 : i32
        %swap3A = arith.index_cast %mul3A_77 : i32 to index
        %swap3A_78 = tpu.vector_load %arg10[%swap3A] {strides = array<i32>} : memref<160xi32, #tpu.memory_space<vmem>>, vector<16xi32>,
        tpu.vector_store %arg10[%swap3A], %add3A_75 {strides = array<i32>} : memref<160xi32, #tpu.memory_space<vmem>>, vector<16xi32>,
        %scan3A_79 = arith.constant 0 : i32
        %scan3A_80 = arith.constant 16 : i32
        %scan3A_81 = arith.addi %scan3A_79, %scan3A_80 : i32
        %scan3A_82 = arith.constant 1 : i32
        %scan3A_83 = scf.for %scan3A_86 = %scan3A_79 to %scan3A_81 step %scan3A_82 iter_args(%scan3A_87 = %add3A_75) -> (vector<16xi32>)  : i32 {
          %mul3A_88 = arith.constant 160 : i32
          %mul3A_89 = arith.muli %scan3A_86, %mul3A_88 : i32
          %mul3A_90 = arith.constant 16 : i32
          %mul3A_91 = arith.muli %scan3A_64, %mul3A_90 : i32
          %add3A_92 = arith.addi %mul3A_89, %mul3A_91 : i32
          %swap3A_93 = arith.index_cast %add3A_92 : i32 to index
          %swap3A_94 = tpu.vector_load %arg9[%swap3A_93] {strides = array<i32>} : memref<2560xi32, #tpu.memory_space<vmem>>, vector<16xi32>,
          tpu.vector_store %arg9[%swap3A_93], %scan3A_87 {strides = array<i32>} : memref<2560xi32, #tpu.memory_space<vmem>>, vector<16xi32>,
          %mul3A_95 = arith.constant 160 : i32
          %mul3A_96 = arith.muli %scan3A_86, %mul3A_95 : i32
          %mul3A_97 = arith.constant 16 : i32
          %mul3A_98 = arith.muli %scan3A_64, %mul3A_97 : i32
          %add3A_99 = arith.addi %mul3A_96, %mul3A_98 : i32
          %get3A = arith.index_cast %add3A_99 : i32 to index
          %get3A_100 = tpu.vector_load %arg8[%get3A] {strides = array<i32>} : memref<2560xi32, #tpu.memory_space<vmem>>, vector<16xi32>,
          %add3A_101 = arith.addi %scan3A_87, %get3A_100 : vector<16xi32>
          scf.yield %add3A_101 : vector<16xi32>
        }
        %scan3A_84 = arith.constant 16 : i32
        %slice3A = vector.extract_strided_slice %masked_cumsum3A {offsets = [15], sizes = [1], strides = [1]} : vector<16xi32> to vector<1xi32>
        %squeeze3A = vector.extract %slice3A[0] : i32 from vector<1xi32>
        %add3A_85 = arith.addi %scan3A_65, %squeeze3A : i32
        scf.yield %add3A_85 : i32
      }
      %scan3A_24 = arith.constant 10 : i32
      %scan3A_25 = arith.constant 0 : i32
      %scan3A_26 = arith.constant 1024 : i32
      %scan3A_27 = arith.addi %scan3A_25, %scan3A_26 : i32
      %scan3A_28 = arith.constant 1 : i32
      scf.for %scan3A_64 = %scan3A_25 to %scan3A_27 step %scan3A_28  : i32 {
        %shift_right_arithmetic3A = arith.constant 3 : i32
        %shift_right_arithmetic3A_65 = arith.shrsi %scan3A_64, %shift_right_arithmetic3A : i32
        %and3A = arith.constant 7 : i32
        %and3A_66 = arith.andi %scan3A_64, %and3A : i32
        %mul3A_67 = arith.constant 16 : i32
        %mul3A_68 = arith.muli %and3A_66, %mul3A_67 : i32
        %get3A = arith.index_cast %shift_right_arithmetic3A_65 : i32 to index
        %get3A_69 = arith.index_cast %mul3A_68 : i32 to index
        %get3A_70 = tpu.vector_load %arg7[%get3A, %get3A_69] {strides = array<i32>} : memref<128x128xi32, #tpu.memory_space<vmem>>, vector<16xi32>,
        %shift_right_arithmetic3A_71 = arith.constant 8 : i32
        %shift_right_arithmetic3A_72 = vector.broadcast %shift_right_arithmetic3A_71 : i32 to vector<16xi32>
        %shift_right_arithmetic3A_73 = arith.shrsi %get3A_70, %shift_right_arithmetic3A_72 : vector<16xi32>
        %mul3A_74 = arith.constant 683 : i32
        %mul3A_75 = vector.broadcast %mul3A_74 : i32 to vector<16xi32>
        %mul3A_76 = arith.muli %shift_right_arithmetic3A_73, %mul3A_75 : vector<16xi32>
        %shift_right_arithmetic3A_77 = arith.constant 11 : i32
        %shift_right_arithmetic3A_78 = vector.broadcast %shift_right_arithmetic3A_77 : i32 to vector<16xi32>
        %shift_right_arithmetic3A_79 = arith.shrsi %mul3A_76, %shift_right_arithmetic3A_78 : vector<16xi32>
        %min3A = arith.constant 130 : i32
        %min3A_80 = vector.broadcast %min3A : i32 to vector<16xi32>
        %min3A_81 = arith.minsi %shift_right_arithmetic3A_79, %min3A_80 : vector<16xi32>
        %ge3A = arith.constant 99968 : i32
        %ge3A_82 = vector.broadcast %ge3A : i32 to vector<16xi32>
        %ge3A_83 = arith.cmpi sge, %get3A_70, %ge3A_82 : vector<16xi32>
        %jit3A = arith.constant 131 : i32
        %broadcast_in_dim3A_84 = vector.broadcast %jit3A : i32 to vector<16xi32>
        %select_n3A = arith.select %ge3A_83, %broadcast_in_dim3A_84, %min3A_81 : vector<16xi1>, vector<16xi32>
        %eq3A = arith.constant 131 : i32
        %eq3A_85 = vector.broadcast %eq3A : i32 to vector<16xi32>
        %eq3A_86 = arith.cmpi eq, %select_n3A, %eq3A_85 : vector<16xi32>
        %mul3A_87 = arith.constant 768 : i32
        %mul3A_88 = vector.broadcast %mul3A_87 : i32 to vector<16xi32>
        %mul3A_89 = arith.muli %select_n3A, %mul3A_88 : vector<16xi32>
        %jit3A_90 = arith.constant 99968 : i32
        %broadcast_in_dim3A_91 = vector.broadcast %jit3A_90 : i32 to vector<16xi32>
        %select_n3A_92 = arith.select %eq3A_86, %broadcast_in_dim3A_91, %mul3A_89 : vector<16xi1>, vector<16xi32>
        %sub3A = arith.subi %get3A_70, %select_n3A_92 : vector<16xi32>
        %mul3A_93 = arith.constant 16 : i32
        %mul3A_94 = arith.muli %scan3A_64, %mul3A_93 : i32
        %broadcast_in_dim3A_95 = vector.broadcast %mul3A_94 : i32 to vector<16xi32>
        %add3A_96 = arith.addi %broadcast_in_dim3A_95, %iota3A : vector<16xi32>
        %mul3A_97 = arith.constant 26 : i32
        %mul3A_98 = vector.broadcast %mul3A_97 : i32 to vector<16xi32>
        %mul3A_99 = arith.muli %add3A_96, %mul3A_98 : vector<16xi32>
        %add3A_100 = vector.broadcast %add3A : i32 to vector<16xi32>
        %add3A_101 = arith.addi %mul3A_99, %add3A_100 : vector<16xi32>
        %shift_left3A = arith.constant 10 : i32
        %shift_left3A_102 = vector.broadcast %shift_left3A : i32 to vector<16xi32>
        %shift_left3A_103 = arith.shli %add3A_101, %shift_left3A_102 : vector<16xi32>
        %or3A = arith.ori %shift_left3A_103, %sub3A : vector<16xi32>
        %add3A_104 = arith.addi %mul3A_5, %select_n3A : vector<16xi32>
        %gather3A = tpu.vector_load_idx %arg9[%add3A_104] : memref<2560xi32, #tpu.memory_space<vmem>>[vector<16xi32>], vector<16xi32>,
        tpu.vector_store_idx %arg11[%gather3A], %or3A : memref<16400xi32, #tpu.memory_space<vmem>>[vector<16xi32>], vector<16xi32>,
        %shift_right_arithmetic3A_105 = arith.constant 8 : i32
        %shift_right_arithmetic3A_106 = vector.broadcast %shift_right_arithmetic3A_105 : i32 to vector<16xi32>
        %shift_right_arithmetic3A_107 = arith.shrsi %gather3A, %shift_right_arithmetic3A_106 : vector<16xi32>
        %and3A_108 = arith.constant 255 : i32
        %and3A_109 = vector.broadcast %and3A_108 : i32 to vector<16xi32>
        %and3A_110 = arith.andi %gather3A, %and3A_109 : vector<16xi32>
        tpu.vector_store_idx %arg12[%shift_right_arithmetic3A_107, %and3A_110], %add3A_101 : memref<64x256xi32, #tpu.memory_space<vmem>>[vector<16xi32>, vector<16xi32>], vector<16xi32>,
        %add3A_111 = arith.constant 1 : i32
        %add3A_112 = vector.broadcast %add3A_111 : i32 to vector<16xi32>
        %add3A_113 = arith.addi %gather3A, %add3A_112 : vector<16xi32>
        tpu.vector_store_idx %arg9[%add3A_104], %add3A_113 : memref<2560xi32, #tpu.memory_space<vmem>>[vector<16xi32>], vector<16xi32>,
      }
      %scan3A_29 = arith.constant 1024 : i32
      %dma_start3A = arith.constant 0 : i32
      %dma_start3A_30 = arith.constant 0 : i32
      %dma_start3A_31 = arith.constant 0 : i32
      %dma_start3A_32 = tpu.memref_slice %arg13[%dma_start3A, %dma_start3A_30, %dma_start3A_31] : memref<2x32x768xf32, #tpu.memory_space<vmem>> -> memref<1x32x768xf32, #tpu.memory_space<vmem>>
      %dma_start3A_33 = tpu.memref_squeeze %dma_start3A_32 : memref<1x32x768xf32, #tpu.memory_space<vmem>> -> memref<32x768xf32, #tpu.memory_space<vmem>>
      %dma_start3A_34 = arith.constant 0 : i32
      %dma_start3A_35 = arith.constant 0 : i32
      %dma_start3A_36 = tpu.memref_slice %arg2[%add3A, %dma_start3A_34, %dma_start3A_35] : memref<26x32x100000xf32, #tpu.memory_space<hbm>> -> memref<1x32x768xf32, #tpu.memory_space<hbm>>
      %dma_start3A_37 = tpu.memref_squeeze %dma_start3A_36 : memref<1x32x768xf32, #tpu.memory_space<hbm>> -> memref<32x768xf32, #tpu.memory_space<hbm>>
      %dma_start3A_38 = arith.constant 0 : i32
      %dma_start3A_39 = arith.constant 0 : i32
      %dma_start3A_40 = tpu.memref_slice %arg13[%dma_start3A, %dma_start3A_38, %dma_start3A_39] : memref<2x32x768xf32, #tpu.memory_space<vmem>> -> memref<1x32x768xf32, #tpu.memory_space<vmem>>
      %dma_start3A_41 = tpu.memref_squeeze %dma_start3A_40 : memref<1x32x768xf32, #tpu.memory_space<vmem>> -> memref<32x768xf32, #tpu.memory_space<vmem>>
      %dma_start3A_42 = arith.constant 0 : i32
      %dma_start3A_43 = arith.constant 0 : i32
      %dma_start3A_44 = tpu.memref_slice %arg2[%add3A, %dma_start3A_42, %dma_start3A_43] : memref<26x32x100000xf32, #tpu.memory_space<hbm>> -> memref<1x32x768xf32, #tpu.memory_space<hbm>>
      %dma_start3A_45 = tpu.memref_squeeze %dma_start3A_44 : memref<1x32x768xf32, #tpu.memory_space<hbm>> -> memref<32x768xf32, #tpu.memory_space<hbm>>
      tpu.enqueue_dma source(%dma_start3A_45 : memref<32x768xf32, #tpu.memory_space<hbm>>) target(%dma_start3A_41 : memref<32x768xf32, #tpu.memory_space<vmem>>) target_semaphore(%arg15 : memref<!tpu.dma_semaphore, #tpu.memory_space<semaphore_mem>>)
      %scan3A_46 = arith.constant 0 : i32
      %scan3A_47 = arith.constant 132 : i32
      %scan3A_48 = arith.addi %scan3A_46, %scan3A_47 : i32
      %scan3A_49 = arith.constant 1 : i32
      scf.for %scan3A_64 = %scan3A_46 to %scan3A_48 step %scan3A_49  : i32 {
        %and3A = arith.constant 1 : i32
        %and3A_65 = arith.andi %scan3A_64, %and3A : i32
        %add3A_66 = arith.constant 1 : i32
        %add3A_67 = arith.addi %scan3A_64, %add3A_66 : i32
        %lt3A_68 = arith.constant 132 : i32
        %lt3A_69 = arith.cmpi slt, %add3A_67, %lt3A_68 : i32
        %convert_element_type3A_70 = arith.extui %lt3A_69 : i1 to i32
        %cond3A_71 = arith.constant 0 : i32
        %cond3A_72 = arith.cmpi ne, %convert_element_type3A_70, %cond3A_71 : i32
        scf.if %cond3A_72 {
          %add3A_103 = arith.constant 1 : i32
          %add3A_104 = arith.addi %scan3A_64, %add3A_103 : i32
          %sub3A = arith.constant 1 : i32
          %sub3A_105 = arith.subi %sub3A, %and3A_65 : i32
          %le3A_106 = arith.constant 129 : i32
          %le3A_107 = arith.cmpi sle, %add3A_104, %le3A_106 : i32
          %convert_element_type3A_108 = arith.extui %le3A_107 : i1 to i32
          %cond3A_109 = arith.constant 0 : i32
          %cond3A_110 = arith.cmpi ne, %convert_element_type3A_108, %cond3A_109 : i32
          scf.if %cond3A_110 {
            %mul3A_121 = arith.constant 768 : i32
            %mul3A_122 = arith.muli %add3A_104, %mul3A_121 : i32
            %multiple_of3A_123 = tpu.assume_multiple %mul3A_122, 768 : i32
            %dma_start3A_124 = arith.constant 0 : i32
            %dma_start3A_125 = arith.constant 0 : i32
            %dma_start3A_126 = tpu.memref_slice %arg13[%sub3A_105, %dma_start3A_124, %dma_start3A_125] : memref<2x32x768xf32, #tpu.memory_space<vmem>> -> memref<1x32x768xf32, #tpu.memory_space<vmem>>
            %dma_start3A_127 = tpu.memref_squeeze %dma_start3A_126 : memref<1x32x768xf32, #tpu.memory_space<vmem>> -> memref<32x768xf32, #tpu.memory_space<vmem>>
            %dma_start3A_128 = arith.constant 0 : i32
            %dma_start3A_129 = tpu.memref_slice %arg2[%add3A, %dma_start3A_128, %multiple_of3A_123] : memref<26x32x100000xf32, #tpu.memory_space<hbm>> -> memref<1x32x768xf32, #tpu.memory_space<hbm>>
            %dma_start3A_130 = tpu.memref_squeeze %dma_start3A_129 : memref<1x32x768xf32, #tpu.memory_space<hbm>> -> memref<32x768xf32, #tpu.memory_space<hbm>>
            %dma_start3A_131 = arith.constant 0 : i32
            %dma_start3A_132 = arith.constant 0 : i32
            %dma_start3A_133 = tpu.memref_slice %arg13[%sub3A_105, %dma_start3A_131, %dma_start3A_132] : memref<2x32x768xf32, #tpu.memory_space<vmem>> -> memref<1x32x768xf32, #tpu.memory_space<vmem>>
            %dma_start3A_134 = tpu.memref_squeeze %dma_start3A_133 : memref<1x32x768xf32, #tpu.memory_space<vmem>> -> memref<32x768xf32, #tpu.memory_space<vmem>>
            %dma_start3A_135 = arith.constant 0 : i32
            %dma_start3A_136 = tpu.memref_slice %arg2[%add3A, %dma_start3A_135, %multiple_of3A_123] : memref<26x32x100000xf32, #tpu.memory_space<hbm>> -> memref<1x32x768xf32, #tpu.memory_space<hbm>>
            %dma_start3A_137 = tpu.memref_squeeze %dma_start3A_136 : memref<1x32x768xf32, #tpu.memory_space<hbm>> -> memref<32x768xf32, #tpu.memory_space<hbm>>
            tpu.enqueue_dma source(%dma_start3A_137 : memref<32x768xf32, #tpu.memory_space<hbm>>) target(%dma_start3A_134 : memref<32x768xf32, #tpu.memory_space<vmem>>) target_semaphore(%arg15 : memref<!tpu.dma_semaphore, #tpu.memory_space<semaphore_mem>>)
          } else {
          }
          %eq3A_111 = arith.constant 130 : i32
          %eq3A_112 = arith.cmpi eq, %add3A_104, %eq3A_111 : i32
          %convert_element_type3A_113 = arith.extui %eq3A_112 : i1 to i32
          %cond3A_114 = arith.constant 0 : i32
          %cond3A_115 = arith.cmpi ne, %convert_element_type3A_113, %cond3A_114 : i32
          scf.if %cond3A_115 {
            %dma_start3A_121 = arith.constant 0 : i32
            %dma_start3A_122 = arith.constant 0 : i32
            %dma_start3A_123 = tpu.memref_slice %arg13[%sub3A_105, %dma_start3A_121, %dma_start3A_122] : memref<2x32x768xf32, #tpu.memory_space<vmem>> -> memref<1x32x128xf32, #tpu.memory_space<vmem>>
            %dma_start3A_124 = tpu.memref_squeeze %dma_start3A_123 : memref<1x32x128xf32, #tpu.memory_space<vmem>> -> memref<32x128xf32, #tpu.memory_space<vmem>>
            %dma_start3A_125 = arith.constant 0 : i32
            %dma_start3A_126 = arith.constant 99840 : i32
            %dma_start3A_127 = tpu.memref_slice %arg2[%add3A, %dma_start3A_125, %dma_start3A_126] : memref<26x32x100000xf32, #tpu.memory_space<hbm>> -> memref<1x32x128xf32, #tpu.memory_space<hbm>>
            %dma_start3A_128 = tpu.memref_squeeze %dma_start3A_127 : memref<1x32x128xf32, #tpu.memory_space<hbm>> -> memref<32x128xf32, #tpu.memory_space<hbm>>
            %dma_start3A_129 = arith.constant 0 : i32
            %dma_start3A_130 = arith.constant 0 : i32
            %dma_start3A_131 = tpu.memref_slice %arg13[%sub3A_105, %dma_start3A_129, %dma_start3A_130] : memref<2x32x768xf32, #tpu.memory_space<vmem>> -> memref<1x32x128xf32, #tpu.memory_space<vmem>>
            %dma_start3A_132 = tpu.memref_squeeze %dma_start3A_131 : memref<1x32x128xf32, #tpu.memory_space<vmem>> -> memref<32x128xf32, #tpu.memory_space<vmem>>
            %dma_start3A_133 = arith.constant 0 : i32
            %dma_start3A_134 = arith.constant 99840 : i32
            %dma_start3A_135 = tpu.memref_slice %arg2[%add3A, %dma_start3A_133, %dma_start3A_134] : memref<26x32x100000xf32, #tpu.memory_space<hbm>> -> memref<1x32x128xf32, #tpu.memory_space<hbm>>
            %dma_start3A_136 = tpu.memref_squeeze %dma_start3A_135 : memref<1x32x128xf32, #tpu.memory_space<hbm>> -> memref<32x128xf32, #tpu.memory_space<hbm>>
            tpu.enqueue_dma source(%dma_start3A_136 : memref<32x128xf32, #tpu.memory_space<hbm>>) target(%dma_start3A_132 : memref<32x128xf32, #tpu.memory_space<vmem>>) target_semaphore(%arg15 : memref<!tpu.dma_semaphore, #tpu.memory_space<semaphore_mem>>)
          } else {
          }
          %eq3A_116 = arith.constant 131 : i32
          %eq3A_117 = arith.cmpi eq, %add3A_104, %eq3A_116 : i32
          %convert_element_type3A_118 = arith.extui %eq3A_117 : i1 to i32
          %cond3A_119 = arith.constant 0 : i32
          %cond3A_120 = arith.cmpi ne, %convert_element_type3A_118, %cond3A_119 : i32
          scf.if %cond3A_120 {
            %dma_start3A_121 = arith.constant 0 : i32
            %dma_start3A_122 = arith.constant 0 : i32
            %dma_start3A_123 = tpu.memref_slice %arg13[%sub3A_105, %dma_start3A_121, %dma_start3A_122] : memref<2x32x768xf32, #tpu.memory_space<vmem>> -> memref<1x32x128xf32, #tpu.memory_space<vmem>>
            %dma_start3A_124 = tpu.memref_squeeze %dma_start3A_123 : memref<1x32x128xf32, #tpu.memory_space<vmem>> -> memref<32x128xf32, #tpu.memory_space<vmem>>
            %dma_start3A_125 = arith.constant 0 : i32
            %dma_start3A_126 = arith.constant 0 : i32
            %dma_start3A_127 = tpu.memref_slice %arg4[%add3A, %dma_start3A_125, %dma_start3A_126] : memref<26x32x128xf32, #tpu.memory_space<hbm>> -> memref<1x32x128xf32, #tpu.memory_space<hbm>>
            %dma_start3A_128 = tpu.memref_squeeze %dma_start3A_127 : memref<1x32x128xf32, #tpu.memory_space<hbm>> -> memref<32x128xf32, #tpu.memory_space<hbm>>
            %dma_start3A_129 = arith.constant 0 : i32
            %dma_start3A_130 = arith.constant 0 : i32
            %dma_start3A_131 = tpu.memref_slice %arg13[%sub3A_105, %dma_start3A_129, %dma_start3A_130] : memref<2x32x768xf32, #tpu.memory_space<vmem>> -> memref<1x32x128xf32, #tpu.memory_space<vmem>>
            %dma_start3A_132 = tpu.memref_squeeze %dma_start3A_131 : memref<1x32x128xf32, #tpu.memory_space<vmem>> -> memref<32x128xf32, #tpu.memory_space<vmem>>
            %dma_start3A_133 = arith.constant 0 : i32
            %dma_start3A_134 = arith.constant 0 : i32
            %dma_start3A_135 = tpu.memref_slice %arg4[%add3A, %dma_start3A_133, %dma_start3A_134] : memref<26x32x128xf32, #tpu.memory_space<hbm>> -> memref<1x32x128xf32, #tpu.memory_space<hbm>>
            %dma_start3A_136 = tpu.memref_squeeze %dma_start3A_135 : memref<1x32x128xf32, #tpu.memory_space<hbm>> -> memref<32x128xf32, #tpu.memory_space<hbm>>
            tpu.enqueue_dma source(%dma_start3A_136 : memref<32x128xf32, #tpu.memory_space<hbm>>) target(%dma_start3A_132 : memref<32x128xf32, #tpu.memory_space<vmem>>) target_semaphore(%arg15 : memref<!tpu.dma_semaphore, #tpu.memory_space<semaphore_mem>>)
          } else {
          }
        } else {
        }
        %le3A = arith.constant 129 : i32
        %le3A_73 = arith.cmpi sle, %scan3A_64, %le3A : i32
        %convert_element_type3A_74 = arith.extui %le3A_73 : i1 to i32
        %cond3A_75 = arith.constant 0 : i32
        %cond3A_76 = arith.cmpi ne, %convert_element_type3A_74, %cond3A_75 : i32
        scf.if %cond3A_76 {
          %dma_wait3A_103 = arith.constant 0 : i32
          %dma_wait3A_104 = arith.constant 0 : i32
          %dma_wait3A_105 = tpu.memref_slice %arg13[%and3A_65, %dma_wait3A_103, %dma_wait3A_104] : memref<2x32x768xf32, #tpu.memory_space<vmem>> -> memref<1x32x768xf32, #tpu.memory_space<vmem>>
          %dma_wait3A_106 = tpu.memref_squeeze %dma_wait3A_105 : memref<1x32x768xf32, #tpu.memory_space<vmem>> -> memref<32x768xf32, #tpu.memory_space<vmem>>
          %dma_wait3A_107 = arith.constant 0 : i32
          %dma_wait3A_108 = arith.constant 0 : i32
          %dma_wait3A_109 = tpu.memref_slice %arg2[%add3A, %dma_wait3A_107, %dma_wait3A_108] : memref<26x32x100000xf32, #tpu.memory_space<hbm>> -> memref<1x32x768xf32, #tpu.memory_space<hbm>>
          %dma_wait3A_110 = tpu.memref_squeeze %dma_wait3A_109 : memref<1x32x768xf32, #tpu.memory_space<hbm>> -> memref<32x768xf32, #tpu.memory_space<hbm>>
          %dma_wait3A_111 = arith.constant 0 : i32
          %dma_wait3A_112 = arith.constant 0 : i32
          %dma_wait3A_113 = tpu.memref_slice %arg13[%and3A_65, %dma_wait3A_111, %dma_wait3A_112] : memref<2x32x768xf32, #tpu.memory_space<vmem>> -> memref<1x32x768xf32, #tpu.memory_space<vmem>>
          %dma_wait3A_114 = tpu.memref_squeeze %dma_wait3A_113 : memref<1x32x768xf32, #tpu.memory_space<vmem>> -> memref<32x768xf32, #tpu.memory_space<vmem>>
          %dma_wait3A_115 = arith.constant 0 : i32
          %dma_wait3A_116 = arith.constant 0 : i32
          %dma_wait3A_117 = tpu.memref_slice %arg2[%add3A, %dma_wait3A_115, %dma_wait3A_116] : memref<26x32x100000xf32, #tpu.memory_space<hbm>> -> memref<1x32x768xf32, #tpu.memory_space<hbm>>
          %dma_wait3A_118 = tpu.memref_squeeze %dma_wait3A_117 : memref<1x32x768xf32, #tpu.memory_space<hbm>> -> memref<32x768xf32, #tpu.memory_space<hbm>>
          tpu.wait_dma2 semaphore(%arg15 : memref<!tpu.dma_semaphore, #tpu.memory_space<semaphore_mem>>) src(%dma_wait3A_118 : memref<32x768xf32, #tpu.memory_space<hbm>>) dst(%dma_wait3A_114 : memref<32x768xf32, #tpu.memory_space<vmem>>)
        } else {
        }
        %eq3A = arith.constant 130 : i32
        %eq3A_77 = arith.cmpi eq, %scan3A_64, %eq3A : i32
        %convert_element_type3A_78 = arith.extui %eq3A_77 : i1 to i32
        %cond3A_79 = arith.constant 0 : i32
        %cond3A_80 = arith.cmpi ne, %convert_element_type3A_78, %cond3A_79 : i32
        scf.if %cond3A_80 {
          %dma_wait3A_103 = arith.constant 0 : i32
          %dma_wait3A_104 = arith.constant 0 : i32
          %dma_wait3A_105 = tpu.memref_slice %arg13[%and3A_65, %dma_wait3A_103, %dma_wait3A_104] : memref<2x32x768xf32, #tpu.memory_space<vmem>> -> memref<1x32x128xf32, #tpu.memory_space<vmem>>
          %dma_wait3A_106 = tpu.memref_squeeze %dma_wait3A_105 : memref<1x32x128xf32, #tpu.memory_space<vmem>> -> memref<32x128xf32, #tpu.memory_space<vmem>>
          %dma_wait3A_107 = arith.constant 0 : i32
          %dma_wait3A_108 = arith.constant 99840 : i32
          %dma_wait3A_109 = tpu.memref_slice %arg2[%add3A, %dma_wait3A_107, %dma_wait3A_108] : memref<26x32x100000xf32, #tpu.memory_space<hbm>> -> memref<1x32x128xf32, #tpu.memory_space<hbm>>
          %dma_wait3A_110 = tpu.memref_squeeze %dma_wait3A_109 : memref<1x32x128xf32, #tpu.memory_space<hbm>> -> memref<32x128xf32, #tpu.memory_space<hbm>>
          %dma_wait3A_111 = arith.constant 0 : i32
          %dma_wait3A_112 = arith.constant 0 : i32
          %dma_wait3A_113 = tpu.memref_slice %arg13[%and3A_65, %dma_wait3A_111, %dma_wait3A_112] : memref<2x32x768xf32, #tpu.memory_space<vmem>> -> memref<1x32x128xf32, #tpu.memory_space<vmem>>
          %dma_wait3A_114 = tpu.memref_squeeze %dma_wait3A_113 : memref<1x32x128xf32, #tpu.memory_space<vmem>> -> memref<32x128xf32, #tpu.memory_space<vmem>>
          %dma_wait3A_115 = arith.constant 0 : i32
          %dma_wait3A_116 = arith.constant 99840 : i32
          %dma_wait3A_117 = tpu.memref_slice %arg2[%add3A, %dma_wait3A_115, %dma_wait3A_116] : memref<26x32x100000xf32, #tpu.memory_space<hbm>> -> memref<1x32x128xf32, #tpu.memory_space<hbm>>
          %dma_wait3A_118 = tpu.memref_squeeze %dma_wait3A_117 : memref<1x32x128xf32, #tpu.memory_space<hbm>> -> memref<32x128xf32, #tpu.memory_space<hbm>>
          tpu.wait_dma2 semaphore(%arg15 : memref<!tpu.dma_semaphore, #tpu.memory_space<semaphore_mem>>) src(%dma_wait3A_118 : memref<32x128xf32, #tpu.memory_space<hbm>>) dst(%dma_wait3A_114 : memref<32x128xf32, #tpu.memory_space<vmem>>)
        } else {
        }
        %eq3A_81 = arith.constant 131 : i32
        %eq3A_82 = arith.cmpi eq, %scan3A_64, %eq3A_81 : i32
        %convert_element_type3A_83 = arith.extui %eq3A_82 : i1 to i32
        %cond3A_84 = arith.constant 0 : i32
        %cond3A_85 = arith.cmpi ne, %convert_element_type3A_83, %cond3A_84 : i32
        scf.if %cond3A_85 {
          %dma_wait3A_103 = arith.constant 0 : i32
          %dma_wait3A_104 = arith.constant 0 : i32
          %dma_wait3A_105 = tpu.memref_slice %arg13[%and3A_65, %dma_wait3A_103, %dma_wait3A_104] : memref<2x32x768xf32, #tpu.memory_space<vmem>> -> memref<1x32x128xf32, #tpu.memory_space<vmem>>
          %dma_wait3A_106 = tpu.memref_squeeze %dma_wait3A_105 : memref<1x32x128xf32, #tpu.memory_space<vmem>> -> memref<32x128xf32, #tpu.memory_space<vmem>>
          %dma_wait3A_107 = arith.constant 0 : i32
          %dma_wait3A_108 = arith.constant 0 : i32
          %dma_wait3A_109 = tpu.memref_slice %arg4[%add3A, %dma_wait3A_107, %dma_wait3A_108] : memref<26x32x128xf32, #tpu.memory_space<hbm>> -> memref<1x32x128xf32, #tpu.memory_space<hbm>>
          %dma_wait3A_110 = tpu.memref_squeeze %dma_wait3A_109 : memref<1x32x128xf32, #tpu.memory_space<hbm>> -> memref<32x128xf32, #tpu.memory_space<hbm>>
          %dma_wait3A_111 = arith.constant 0 : i32
          %dma_wait3A_112 = arith.constant 0 : i32
          %dma_wait3A_113 = tpu.memref_slice %arg13[%and3A_65, %dma_wait3A_111, %dma_wait3A_112] : memref<2x32x768xf32, #tpu.memory_space<vmem>> -> memref<1x32x128xf32, #tpu.memory_space<vmem>>
          %dma_wait3A_114 = tpu.memref_squeeze %dma_wait3A_113 : memref<1x32x128xf32, #tpu.memory_space<vmem>> -> memref<32x128xf32, #tpu.memory_space<vmem>>
          %dma_wait3A_115 = arith.constant 0 : i32
          %dma_wait3A_116 = arith.constant 0 : i32
          %dma_wait3A_117 = tpu.memref_slice %arg4[%add3A, %dma_wait3A_115, %dma_wait3A_116] : memref<26x32x128xf32, #tpu.memory_space<hbm>> -> memref<1x32x128xf32, #tpu.memory_space<hbm>>
          %dma_wait3A_118 = tpu.memref_squeeze %dma_wait3A_117 : memref<1x32x128xf32, #tpu.memory_space<hbm>> -> memref<32x128xf32, #tpu.memory_space<hbm>>
          tpu.wait_dma2 semaphore(%arg15 : memref<!tpu.dma_semaphore, #tpu.memory_space<semaphore_mem>>) src(%dma_wait3A_118 : memref<32x128xf32, #tpu.memory_space<hbm>>) dst(%dma_wait3A_114 : memref<32x128xf32, #tpu.memory_space<vmem>>)
        } else {
        }
        %get3A = arith.index_cast %scan3A_64 : i32 to index
        %get3A_86 = tpu.vector_load %arg10[%get3A] {strides = array<i32>} : memref<160xi32, #tpu.memory_space<vmem>>, vector<16xi32>,
        %slice3A = vector.extract_strided_slice %get3A_86 {offsets = [0], sizes = [1], strides = [1]} : vector<16xi32> to vector<1xi32>
        %squeeze3A = vector.extract %slice3A[0] : i32 from vector<1xi32>
        %slice3A_87 = vector.extract_strided_slice %get3A_86 {offsets = [1], sizes = [1], strides = [1]} : vector<16xi32> to vector<1xi32>
        %squeeze3A_88 = vector.extract %slice3A_87[0] : i32 from vector<1xi32>
        %broadcast_in_dim3A_89 = vector.broadcast %and3A_65 : i32 to vector<16xi32>
        %get3A_90 = arith.index_cast %squeeze3A : i32 to index
        %get3A_91 = tpu.vector_load %arg11[%get3A_90] {strides = array<i32>} : memref<16400xi32, #tpu.memory_space<vmem>>, vector<16xi32>,
        %slice3A_92 = vector.extract_strided_slice %get3A_91 {offsets = [0], sizes = [1], strides = [1]} : vector<16xi32> to vector<1xi32>
        %squeeze3A_93 = vector.extract %slice3A_92[0] : i32 from vector<1xi32>
        %while3A = arith.subi %squeeze3A_88, %squeeze3A : i32
        %while3A_94 = arith.addi %squeeze3A, %while3A : i32
        %while3A_95 = arith.constant 1 : i32
        %while3A_96 = arith.divsi %while3A, %while3A_95 : i32
        %while3A_97 = arith.muli %while3A_96, %while3A_95 : i32
        %while3A_98 = arith.addi %squeeze3A, %while3A_97 : i32
        %while3A_99 = arith.constant 1 : i32
        %while3A_100 = scf.for %while3A_103 = %squeeze3A to %while3A_98 step %while3A_99 iter_args(%while3A_104 = %squeeze3A_93) -> (i32)  : i32 {
          %add3A_105 = arith.constant 1 : i32
          %add3A_106 = arith.addi %while3A_103, %add3A_105 : i32
          %get3A_107 = arith.index_cast %add3A_106 : i32 to index
          %get3A_108 = tpu.vector_load %arg11[%get3A_107] {strides = array<i32>} : memref<16400xi32, #tpu.memory_space<vmem>>, vector<16xi32>,
          %slice3A_109 = vector.extract_strided_slice %get3A_108 {offsets = [0], sizes = [1], strides = [1]} : vector<16xi32> to vector<1xi32>
          %squeeze3A_110 = vector.extract %slice3A_109[0] : i32 from vector<1xi32>
          %and3A_111 = arith.constant 1023 : i32
          %and3A_112 = arith.andi %while3A_104, %and3A_111 : i32
          %broadcast_in_dim3A_113 = vector.broadcast %and3A_112 : i32 to vector<16xi32>
          %gather3A = tpu.vector_load_idx %arg13[%broadcast_in_dim3A_89, %iota3A, %broadcast_in_dim3A_113] : memref<2x32x768xf32, #tpu.memory_space<vmem>>[vector<16xi32>, vector<16xi32>, vector<16xi32>], vector<16xf32>,
          %add3A_114 = arith.constant 16 : i32
          %add3A_115 = vector.broadcast %add3A_114 : i32 to vector<16xi32>
          %add3A_116 = arith.addi %iota3A, %add3A_115 : vector<16xi32>
          %gather3A_117 = tpu.vector_load_idx %arg13[%broadcast_in_dim3A_89, %add3A_116, %broadcast_in_dim3A_113] : memref<2x32x768xf32, #tpu.memory_space<vmem>>[vector<16xi32>, vector<16xi32>, vector<16xi32>], vector<16xf32>,
          %and3A_118 = arith.constant 511 : i32
          %and3A_119 = arith.andi %while3A_103, %and3A_118 : i32
          %shift_right_arithmetic3A = arith.constant 2 : i32
          %shift_right_arithmetic3A_120 = arith.shrsi %and3A_119, %shift_right_arithmetic3A : i32
          %broadcast_in_dim3A_121 = vector.broadcast %shift_right_arithmetic3A_120 : i32 to vector<16xi32>
          %and3A_122 = arith.constant 3 : i32
          %and3A_123 = arith.andi %and3A_119, %and3A_122 : i32
          %mul3A_124 = arith.constant 32 : i32
          %mul3A_125 = arith.muli %and3A_123, %mul3A_124 : i32
          %broadcast_in_dim3A_126 = vector.broadcast %mul3A_125 : i32 to vector<16xi32>
          %add3A_127 = arith.addi %broadcast_in_dim3A_126, %iota3A : vector<16xi32>
          tpu.vector_store_idx %arg14[%broadcast_in_dim3A_121, %add3A_127], %gather3A : memref<128x128xf32, #tpu.memory_space<vmem>>[vector<16xi32>, vector<16xi32>], vector<16xf32>,
          %add3A_128 = arith.constant 16 : i32
          %add3A_129 = vector.broadcast %add3A_128 : i32 to vector<16xi32>
          %add3A_130 = arith.addi %add3A_127, %add3A_129 : vector<16xi32>
          tpu.vector_store_idx %arg14[%broadcast_in_dim3A_121, %add3A_130], %gather3A_117 : memref<128x128xf32, #tpu.memory_space<vmem>>[vector<16xi32>, vector<16xi32>], vector<16xf32>,
          %and3A_131 = arith.constant 255 : i32
          %and3A_132 = arith.andi %while3A_103, %and3A_131 : i32
          %eq3A_133 = arith.constant 255 : i32
          %eq3A_134 = arith.cmpi eq, %and3A_132, %eq3A_133 : i32
          %convert_element_type3A_135 = arith.extui %eq3A_134 : i1 to i32
          %cond3A_136 = arith.constant 0 : i32
          %cond3A_137 = arith.cmpi ne, %convert_element_type3A_135, %cond3A_136 : i32
          scf.if %cond3A_137 {
            %shift_right_arithmetic3A_138 = arith.constant 8 : i32
            %shift_right_arithmetic3A_139 = arith.shrsi %while3A_103, %shift_right_arithmetic3A_138 : i32
            %and3A_140 = arith.constant 1 : i32
            %and3A_141 = arith.andi %shift_right_arithmetic3A_139, %and3A_140 : i32
            %mul3A_142 = arith.constant 16384 : i32
            %mul3A_143 = arith.muli %add3A, %mul3A_142 : i32
            %mul3A_144 = arith.constant 256 : i32
            %mul3A_145 = arith.muli %shift_right_arithmetic3A_139, %mul3A_144 : i32
            %add3A_146 = arith.addi %mul3A_143, %mul3A_145 : i32
            %jit3A = arith.constant 4 : i32
            %div3A = arith.divsi %add3A_146, %jit3A : i32
            %sign3A = arith.constant 0 : i32
            %sign3A_147 = arith.cmpi sgt, %add3A_146, %sign3A : i32
            %sign3A_148 = arith.extui %sign3A_147 : i1 to i32
            %sign3A_149 = arith.constant 0 : i32
            %sign3A_150 = arith.cmpi slt, %add3A_146, %sign3A_149 : i32
            %sign3A_151 = arith.extui %sign3A_150 : i1 to i32
            %sign3A_152 = arith.subi %sign3A_148, %sign3A_151 : i32
            %sign3A_153 = arith.constant 0 : i32
            %sign3A_154 = arith.cmpi sgt, %jit3A, %sign3A_153 : i32
            %sign3A_155 = arith.extui %sign3A_154 : i1 to i32
            %sign3A_156 = arith.constant 0 : i32
            %sign3A_157 = arith.cmpi slt, %jit3A, %sign3A_156 : i32
            %sign3A_158 = arith.extui %sign3A_157 : i1 to i32
            %sign3A_159 = arith.subi %sign3A_155, %sign3A_158 : i32
            %ne3A = arith.cmpi ne, %sign3A_152, %sign3A_159 : i32
            %rem3A = arith.remsi %add3A_146, %jit3A : i32
            %ne3A_160 = arith.constant 0 : i32
            %ne3A_161 = arith.cmpi ne, %rem3A, %ne3A_160 : i32
            %and3A_162 = arith.andi %ne3A, %ne3A_161 : i1
            %sub3A = arith.constant 1 : i32
            %sub3A_163 = arith.subi %div3A, %sub3A : i32
            %select_n3A = arith.select %and3A_162, %sub3A_163, %div3A : i32
            %multiple_of3A_164 = tpu.assume_multiple %select_n3A, 64 : i32
            %mul3A_165 = arith.constant 64 : i32
            %mul3A_166 = arith.muli %and3A_141, %mul3A_165 : i32
            %dma_start3A_167 = arith.constant 0 : i32
            %dma_start3A_168 = tpu.memref_slice %arg14[%mul3A_166, %dma_start3A_167] : memref<128x128xf32, #tpu.memory_space<vmem>> -> memref<64x128xf32, #tpu.memory_space<vmem>>
            %dma_start3A_169 = arith.constant 0 : i32
            %dma_start3A_170 = tpu.memref_slice %arg5[%multiple_of3A_164, %dma_start3A_169] : memref<106496x128xf32, #tpu.memory_space<hbm>> -> memref<64x128xf32, #tpu.memory_space<hbm>>
            %dma_start3A_171 = arith.constant 0 : i32
            %dma_start3A_172 = tpu.memref_slice %arg5[%multiple_of3A_164, %dma_start3A_171] : memref<106496x128xf32, #tpu.memory_space<hbm>> -> memref<64x128xf32, #tpu.memory_space<hbm>>
            %dma_start3A_173 = arith.constant 0 : i32
            %dma_start3A_174 = tpu.memref_slice %arg14[%mul3A_166, %dma_start3A_173] : memref<128x128xf32, #tpu.memory_space<vmem>> -> memref<64x128xf32, #tpu.memory_space<vmem>>
            tpu.enqueue_dma source(%dma_start3A_174 : memref<64x128xf32, #tpu.memory_space<vmem>>) target(%dma_start3A_172 : memref<64x128xf32, #tpu.memory_space<hbm>>) target_semaphore(%arg16 : memref<!tpu.dma_semaphore, #tpu.memory_space<semaphore_mem>>)
            %ge3A = arith.constant 1 : i32
            %ge3A_175 = arith.cmpi sge, %shift_right_arithmetic3A_139, %ge3A : i32
            %convert_element_type3A_176 = arith.extui %ge3A_175 : i1 to i32
            %cond3A_177 = arith.constant 0 : i32
            %cond3A_178 = arith.cmpi ne, %convert_element_type3A_176, %cond3A_177 : i32
            scf.if %cond3A_178 {
              %dma_wait3A_179 = arith.constant 0 : i32
              %dma_wait3A_180 = arith.constant 0 : i32
              %dma_wait3A_181 = tpu.memref_slice %arg14[%dma_wait3A_179, %dma_wait3A_180] : memref<128x128xf32, #tpu.memory_space<vmem>> -> memref<64x128xf32, #tpu.memory_space<vmem>>
              %dma_wait3A_182 = arith.constant 0 : i32
              %dma_wait3A_183 = arith.constant 0 : i32
              %dma_wait3A_184 = tpu.memref_slice %arg5[%dma_wait3A_182, %dma_wait3A_183] : memref<106496x128xf32, #tpu.memory_space<hbm>> -> memref<64x128xf32, #tpu.memory_space<hbm>>
              %dma_wait3A_185 = arith.constant 0 : i32
              %dma_wait3A_186 = arith.constant 0 : i32
              %dma_wait3A_187 = tpu.memref_slice %arg5[%dma_wait3A_185, %dma_wait3A_186] : memref<106496x128xf32, #tpu.memory_space<hbm>> -> memref<64x128xf32, #tpu.memory_space<hbm>>
              %dma_wait3A_188 = arith.constant 0 : i32
              %dma_wait3A_189 = arith.constant 0 : i32
              %dma_wait3A_190 = tpu.memref_slice %arg14[%dma_wait3A_188, %dma_wait3A_189] : memref<128x128xf32, #tpu.memory_space<vmem>> -> memref<64x128xf32, #tpu.memory_space<vmem>>
              tpu.wait_dma2 semaphore(%arg16 : memref<!tpu.dma_semaphore, #tpu.memory_space<semaphore_mem>>) src(%dma_wait3A_190 : memref<64x128xf32, #tpu.memory_space<vmem>>) dst(%dma_wait3A_187 : memref<64x128xf32, #tpu.memory_space<hbm>>)
            } else {
            }
          } else {
          }
          scf.yield %squeeze3A_110 : i32
        }
        %while3A_101 = arith.constant 1 : i32
        %while3A_102 = scf.for %while3A_103 = %while3A_98 to %while3A_94 step %while3A_101 iter_args(%while3A_104 = %while3A_100) -> (i32)  : i32 {
          %add3A_105 = arith.constant 1 : i32
          %add3A_106 = arith.addi %while3A_103, %add3A_105 : i32
          %get3A_107 = arith.index_cast %add3A_106 : i32 to index
          %get3A_108 = tpu.vector_load %arg11[%get3A_107] {strides = array<i32>} : memref<16400xi32, #tpu.memory_space<vmem>>, vector<16xi32>,
          %slice3A_109 = vector.extract_strided_slice %get3A_108 {offsets = [0], sizes = [1], strides = [1]} : vector<16xi32> to vector<1xi32>
          %squeeze3A_110 = vector.extract %slice3A_109[0] : i32 from vector<1xi32>
          %and3A_111 = arith.constant 1023 : i32
          %and3A_112 = arith.andi %while3A_104, %and3A_111 : i32
          %broadcast_in_dim3A_113 = vector.broadcast %and3A_112 : i32 to vector<16xi32>
          %gather3A = tpu.vector_load_idx %arg13[%broadcast_in_dim3A_89, %iota3A, %broadcast_in_dim3A_113] : memref<2x32x768xf32, #tpu.memory_space<vmem>>[vector<16xi32>, vector<16xi32>, vector<16xi32>], vector<16xf32>,
          %add3A_114 = arith.constant 16 : i32
          %add3A_115 = vector.broadcast %add3A_114 : i32 to vector<16xi32>
          %add3A_116 = arith.addi %iota3A, %add3A_115 : vector<16xi32>
          %gather3A_117 = tpu.vector_load_idx %arg13[%broadcast_in_dim3A_89, %add3A_116, %broadcast_in_dim3A_113] : memref<2x32x768xf32, #tpu.memory_space<vmem>>[vector<16xi32>, vector<16xi32>, vector<16xi32>], vector<16xf32>,
          %and3A_118 = arith.constant 511 : i32
          %and3A_119 = arith.andi %while3A_103, %and3A_118 : i32
          %shift_right_arithmetic3A = arith.constant 2 : i32
          %shift_right_arithmetic3A_120 = arith.shrsi %and3A_119, %shift_right_arithmetic3A : i32
          %broadcast_in_dim3A_121 = vector.broadcast %shift_right_arithmetic3A_120 : i32 to vector<16xi32>
          %and3A_122 = arith.constant 3 : i32
          %and3A_123 = arith.andi %and3A_119, %and3A_122 : i32
          %mul3A_124 = arith.constant 32 : i32
          %mul3A_125 = arith.muli %and3A_123, %mul3A_124 : i32
          %broadcast_in_dim3A_126 = vector.broadcast %mul3A_125 : i32 to vector<16xi32>
          %add3A_127 = arith.addi %broadcast_in_dim3A_126, %iota3A : vector<16xi32>
          tpu.vector_store_idx %arg14[%broadcast_in_dim3A_121, %add3A_127], %gather3A : memref<128x128xf32, #tpu.memory_space<vmem>>[vector<16xi32>, vector<16xi32>], vector<16xf32>,
          %add3A_128 = arith.constant 16 : i32
          %add3A_129 = vector.broadcast %add3A_128 : i32 to vector<16xi32>
          %add3A_130 = arith.addi %add3A_127, %add3A_129 : vector<16xi32>
          tpu.vector_store_idx %arg14[%broadcast_in_dim3A_121, %add3A_130], %gather3A_117 : memref<128x128xf32, #tpu.memory_space<vmem>>[vector<16xi32>, vector<16xi32>], vector<16xf32>,
          %and3A_131 = arith.constant 255 : i32
          %and3A_132 = arith.andi %while3A_103, %and3A_131 : i32
          %eq3A_133 = arith.constant 255 : i32
          %eq3A_134 = arith.cmpi eq, %and3A_132, %eq3A_133 : i32
          %convert_element_type3A_135 = arith.extui %eq3A_134 : i1 to i32
          %cond3A_136 = arith.constant 0 : i32
          %cond3A_137 = arith.cmpi ne, %convert_element_type3A_135, %cond3A_136 : i32
          scf.if %cond3A_137 {
            %shift_right_arithmetic3A_138 = arith.constant 8 : i32
            %shift_right_arithmetic3A_139 = arith.shrsi %while3A_103, %shift_right_arithmetic3A_138 : i32
            %and3A_140 = arith.constant 1 : i32
            %and3A_141 = arith.andi %shift_right_arithmetic3A_139, %and3A_140 : i32
            %mul3A_142 = arith.constant 16384 : i32
            %mul3A_143 = arith.muli %add3A, %mul3A_142 : i32
            %mul3A_144 = arith.constant 256 : i32
            %mul3A_145 = arith.muli %shift_right_arithmetic3A_139, %mul3A_144 : i32
            %add3A_146 = arith.addi %mul3A_143, %mul3A_145 : i32
            %jit3A = arith.constant 4 : i32
            %div3A = arith.divsi %add3A_146, %jit3A : i32
            %sign3A = arith.constant 0 : i32
            %sign3A_147 = arith.cmpi sgt, %add3A_146, %sign3A : i32
            %sign3A_148 = arith.extui %sign3A_147 : i1 to i32
            %sign3A_149 = arith.constant 0 : i32
            %sign3A_150 = arith.cmpi slt, %add3A_146, %sign3A_149 : i32
            %sign3A_151 = arith.extui %sign3A_150 : i1 to i32
            %sign3A_152 = arith.subi %sign3A_148, %sign3A_151 : i32
            %sign3A_153 = arith.constant 0 : i32
            %sign3A_154 = arith.cmpi sgt, %jit3A, %sign3A_153 : i32
            %sign3A_155 = arith.extui %sign3A_154 : i1 to i32
            %sign3A_156 = arith.constant 0 : i32
            %sign3A_157 = arith.cmpi slt, %jit3A, %sign3A_156 : i32
            %sign3A_158 = arith.extui %sign3A_157 : i1 to i32
            %sign3A_159 = arith.subi %sign3A_155, %sign3A_158 : i32
            %ne3A = arith.cmpi ne, %sign3A_152, %sign3A_159 : i32
            %rem3A = arith.remsi %add3A_146, %jit3A : i32
            %ne3A_160 = arith.constant 0 : i32
            %ne3A_161 = arith.cmpi ne, %rem3A, %ne3A_160 : i32
            %and3A_162 = arith.andi %ne3A, %ne3A_161 : i1
            %sub3A = arith.constant 1 : i32
            %sub3A_163 = arith.subi %div3A, %sub3A : i32
            %select_n3A = arith.select %and3A_162, %sub3A_163, %div3A : i32
            %multiple_of3A_164 = tpu.assume_multiple %select_n3A, 64 : i32
            %mul3A_165 = arith.constant 64 : i32
            %mul3A_166 = arith.muli %and3A_141, %mul3A_165 : i32
            %dma_start3A_167 = arith.constant 0 : i32
            %dma_start3A_168 = tpu.memref_slice %arg14[%mul3A_166, %dma_start3A_167] : memref<128x128xf32, #tpu.memory_space<vmem>> -> memref<64x128xf32, #tpu.memory_space<vmem>>
            %dma_start3A_169 = arith.constant 0 : i32
            %dma_start3A_170 = tpu.memref_slice %arg5[%multiple_of3A_164, %dma_start3A_169] : memref<106496x128xf32, #tpu.memory_space<hbm>> -> memref<64x128xf32, #tpu.memory_space<hbm>>
            %dma_start3A_171 = arith.constant 0 : i32
            %dma_start3A_172 = tpu.memref_slice %arg5[%multiple_of3A_164, %dma_start3A_171] : memref<106496x128xf32, #tpu.memory_space<hbm>> -> memref<64x128xf32, #tpu.memory_space<hbm>>
            %dma_start3A_173 = arith.constant 0 : i32
            %dma_start3A_174 = tpu.memref_slice %arg14[%mul3A_166, %dma_start3A_173] : memref<128x128xf32, #tpu.memory_space<vmem>> -> memref<64x128xf32, #tpu.memory_space<vmem>>
            tpu.enqueue_dma source(%dma_start3A_174 : memref<64x128xf32, #tpu.memory_space<vmem>>) target(%dma_start3A_172 : memref<64x128xf32, #tpu.memory_space<hbm>>) target_semaphore(%arg16 : memref<!tpu.dma_semaphore, #tpu.memory_space<semaphore_mem>>)
            %ge3A = arith.constant 1 : i32
            %ge3A_175 = arith.cmpi sge, %shift_right_arithmetic3A_139, %ge3A : i32
            %convert_element_type3A_176 = arith.extui %ge3A_175 : i1 to i32
            %cond3A_177 = arith.constant 0 : i32
            %cond3A_178 = arith.cmpi ne, %convert_element_type3A_176, %cond3A_177 : i32
            scf.if %cond3A_178 {
              %dma_wait3A_179 = arith.constant 0 : i32
              %dma_wait3A_180 = arith.constant 0 : i32
              %dma_wait3A_181 = tpu.memref_slice %arg14[%dma_wait3A_179, %dma_wait3A_180] : memref<128x128xf32, #tpu.memory_space<vmem>> -> memref<64x128xf32, #tpu.memory_space<vmem>>
              %dma_wait3A_182 = arith.constant 0 : i32
              %dma_wait3A_183 = arith.constant 0 : i32
              %dma_wait3A_184 = tpu.memref_slice %arg5[%dma_wait3A_182, %dma_wait3A_183] : memref<106496x128xf32, #tpu.memory_space<hbm>> -> memref<64x128xf32, #tpu.memory_space<hbm>>
              %dma_wait3A_185 = arith.constant 0 : i32
              %dma_wait3A_186 = arith.constant 0 : i32
              %dma_wait3A_187 = tpu.memref_slice %arg5[%dma_wait3A_185, %dma_wait3A_186] : memref<106496x128xf32, #tpu.memory_space<hbm>> -> memref<64x128xf32, #tpu.memory_space<hbm>>
              %dma_wait3A_188 = arith.constant 0 : i32
              %dma_wait3A_189 = arith.constant 0 : i32
              %dma_wait3A_190 = tpu.memref_slice %arg14[%dma_wait3A_188, %dma_wait3A_189] : memref<128x128xf32, #tpu.memory_space<vmem>> -> memref<64x128xf32, #tpu.memory_space<vmem>>
              tpu.wait_dma2 semaphore(%arg16 : memref<!tpu.dma_semaphore, #tpu.memory_space<semaphore_mem>>) src(%dma_wait3A_190 : memref<64x128xf32, #tpu.memory_space<vmem>>) dst(%dma_wait3A_187 : memref<64x128xf32, #tpu.memory_space<hbm>>)
            } else {
            }
          } else {
          }
          scf.yield %squeeze3A_110 : i32
        }
      }
      %scan3A_50 = arith.constant 132 : i32
      %dma_wait3A = arith.constant 0 : i32
      %dma_wait3A_51 = arith.constant 0 : i32
      %dma_wait3A_52 = tpu.memref_slice %arg14[%dma_wait3A, %dma_wait3A_51] : memref<128x128xf32, #tpu.memory_space<vmem>> -> memref<64x128xf32, #tpu.memory_space<vmem>>
      %dma_wait3A_53 = arith.constant 0 : i32
      %dma_wait3A_54 = arith.constant 0 : i32
      %dma_wait3A_55 = tpu.memref_slice %arg5[%dma_wait3A_53, %dma_wait3A_54] : memref<106496x128xf32, #tpu.memory_space<hbm>> -> memref<64x128xf32, #tpu.memory_space<hbm>>
      %dma_wait3A_56 = arith.constant 0 : i32
      %dma_wait3A_57 = arith.constant 0 : i32
      %dma_wait3A_58 = tpu.memref_slice %arg5[%dma_wait3A_56, %dma_wait3A_57] : memref<106496x128xf32, #tpu.memory_space<hbm>> -> memref<64x128xf32, #tpu.memory_space<hbm>>
      %dma_wait3A_59 = arith.constant 0 : i32
      %dma_wait3A_60 = arith.constant 0 : i32
      %dma_wait3A_61 = tpu.memref_slice %arg14[%dma_wait3A_59, %dma_wait3A_60] : memref<128x128xf32, #tpu.memory_space<vmem>> -> memref<64x128xf32, #tpu.memory_space<vmem>>
      tpu.wait_dma2 semaphore(%arg16 : memref<!tpu.dma_semaphore, #tpu.memory_space<semaphore_mem>>) src(%dma_wait3A_61 : memref<64x128xf32, #tpu.memory_space<vmem>>) dst(%dma_wait3A_58 : memref<64x128xf32, #tpu.memory_space<hbm>>)
      %mul3A_62 = arith.constant 64 : i32
      %mul3A_63 = arith.muli %add3A, %mul3A_62 : i32
      %multiple_of3A = tpu.assume_multiple %mul3A_63, 64 : i32
      "tpu.region"() ({
        %run_scoped3A = tpu.sem_alloc : memref<!tpu.dma_semaphore, #tpu.memory_space<semaphore_mem>>
        %dma_start3A_64 = arith.constant 0 : i32
        %dma_start3A_65 = tpu.memref_slice %arg6[%multiple_of3A, %dma_start3A_64] : memref<1664x256xi32, #tpu.memory_space<hbm>> -> memref<64x256xi32, #tpu.memory_space<hbm>>
        %dma_start3A_66 = arith.constant 0 : i32
        %dma_start3A_67 = tpu.memref_slice %arg6[%multiple_of3A, %dma_start3A_66] : memref<1664x256xi32, #tpu.memory_space<hbm>> -> memref<64x256xi32, #tpu.memory_space<hbm>>
        tpu.enqueue_dma source(%arg12 : memref<64x256xi32, #tpu.memory_space<vmem>>) target(%dma_start3A_67 : memref<64x256xi32, #tpu.memory_space<hbm>>) target_semaphore(%run_scoped3A : memref<!tpu.dma_semaphore, #tpu.memory_space<semaphore_mem>>)
        %dma_wait3A_68 = arith.constant 0 : i32
        %dma_wait3A_69 = tpu.memref_slice %arg6[%multiple_of3A, %dma_wait3A_68] : memref<1664x256xi32, #tpu.memory_space<hbm>> -> memref<64x256xi32, #tpu.memory_space<hbm>>
        %dma_wait3A_70 = arith.constant 0 : i32
        %dma_wait3A_71 = tpu.memref_slice %arg6[%multiple_of3A, %dma_wait3A_70] : memref<1664x256xi32, #tpu.memory_space<hbm>> -> memref<64x256xi32, #tpu.memory_space<hbm>>
        tpu.wait_dma2 semaphore(%run_scoped3A : memref<!tpu.dma_semaphore, #tpu.memory_space<semaphore_mem>>) src(%arg12 : memref<64x256xi32, #tpu.memory_space<vmem>>) dst(%dma_wait3A_71 : memref<64x256xi32, #tpu.memory_space<hbm>>)
        tpu.yield
      }) : () -> ()
    } else {
    }
    return
  }
}

module attributes {stable_mosaic.version = 14 : i64} {
  func.func @_tc_body(%arg0: i32, %arg1: memref<1024x13xbf16, #tpu.memory_space<vmem>>, %arg2: memref<1024x832xf32, #tpu.memory_space<vmem>>, %arg3: memref<13x512xbf16, #tpu.memory_space<vmem>>, %arg4: memref<1x512xf32, #tpu.memory_space<vmem>>, %arg5: memref<512x256xbf16, #tpu.memory_space<vmem>>, %arg6: memref<1x256xf32, #tpu.memory_space<vmem>>, %arg7: memref<256x32xbf16, #tpu.memory_space<vmem>>, %arg8: memref<1x32xf32, #tpu.memory_space<vmem>>, %arg9: memref<32x1024xbf16, #tpu.memory_space<vmem>>, %arg10: memref<729x1024xbf16, #tpu.memory_space<vmem>>, %arg11: memref<1x1024xf32, #tpu.memory_space<vmem>>, %arg12: memref<1024x1024xbf16, #tpu.memory_space<vmem>>, %arg13: memref<1x1024xf32, #tpu.memory_space<vmem>>, %arg14: memref<1024x512xbf16, #tpu.memory_space<vmem>>, %arg15: memref<1x512xf32, #tpu.memory_space<vmem>>, %arg16: memref<512x256xbf16, #tpu.memory_space<vmem>>, %arg17: memref<1x256xf32, #tpu.memory_space<vmem>>, %arg18: memref<256x1xbf16, #tpu.memory_space<vmem>>, %arg19: memref<1x1xf32, #tpu.memory_space<vmem>>, %arg20: memref<1024x1xf32, #tpu.memory_space<vmem>>) attributes {dimension_semantics = [#tpu.dimension_semantics<arbitrary>], iteration_bounds = array<i64: 16>, scalar_prefetch = 0 : i64, scratch_operands = 0 : i64, tpu.core_type = #tpu.core_type<tc>, window_params = [{transform_indices = @transform_0, window_bounds = array<i64: 1024, 13>}, {transform_indices = @transform_1, window_bounds = array<i64: 1024, 832>}, {pipeline_mode = #tpu.pipeline_mode<synchronous>, transform_indices = @transform_2, window_bounds = array<i64: 13, 512>}, {pipeline_mode = #tpu.pipeline_mode<synchronous>, transform_indices = @transform_3, window_bounds = array<i64: 1, 512>}, {pipeline_mode = #tpu.pipeline_mode<synchronous>, transform_indices = @transform_4, window_bounds = array<i64: 512, 256>}, {pipeline_mode = #tpu.pipeline_mode<synchronous>, transform_indices = @transform_5, window_bounds = array<i64: 1, 256>}, {pipeline_mode = #tpu.pipeline_mode<synchronous>, transform_indices = @transform_6, window_bounds = array<i64: 256, 32>}, {pipeline_mode = #tpu.pipeline_mode<synchronous>, transform_indices = @transform_7, window_bounds = array<i64: 1, 32>}, {pipeline_mode = #tpu.pipeline_mode<synchronous>, transform_indices = @transform_8, window_bounds = array<i64: 32, 1024>}, {pipeline_mode = #tpu.pipeline_mode<synchronous>, transform_indices = @transform_9, window_bounds = array<i64: 729, 1024>}, {pipeline_mode = #tpu.pipeline_mode<synchronous>, transform_indices = @transform_10, window_bounds = array<i64: 1, 1024>}, {pipeline_mode = #tpu.pipeline_mode<synchronous>, transform_indices = @transform_11, window_bounds = array<i64: 1024, 1024>}, {pipeline_mode = #tpu.pipeline_mode<synchronous>, transform_indices = @transform_12, window_bounds = array<i64: 1, 1024>}, {pipeline_mode = #tpu.pipeline_mode<synchronous>, transform_indices = @transform_13, window_bounds = array<i64: 1024, 512>}, {pipeline_mode = #tpu.pipeline_mode<synchronous>, transform_indices = @transform_14, window_bounds = array<i64: 1, 512>}, {pipeline_mode = #tpu.pipeline_mode<synchronous>, transform_indices = @transform_15, window_bounds = array<i64: 512, 256>}, {pipeline_mode = #tpu.pipeline_mode<synchronous>, transform_indices = @transform_16, window_bounds = array<i64: 1, 256>}, {pipeline_mode = #tpu.pipeline_mode<synchronous>, transform_indices = @transform_17, window_bounds = array<i64: 256, 1>}, {pipeline_mode = #tpu.pipeline_mode<synchronous>, transform_indices = @transform_18, window_bounds = array<i64: 1, 1>}, {transform_indices = @transform_19, window_bounds = array<i64: 1024, 1>}]} {
    %get3A = arith.constant 0 : index
    %get3A_0 = arith.constant 0 : index
    %get3A_1 = vector.load %arg1[%get3A, %get3A_0] : memref<1024x13xbf16, #tpu.memory_space<vmem>>, vector<1024x13xbf16>
    %get3A_2 = arith.constant 0 : index
    %get3A_3 = arith.constant 0 : index
    %get3A_4 = vector.load %arg3[%get3A_2, %get3A_3] : memref<13x512xbf16, #tpu.memory_space<vmem>>, vector<13x512xbf16>
    %dot_general3A = arith.constant dense<0.000000e+00> : vector<1024x512xf32>
    %dot_general3A_5 = tpu.matmul %get3A_1, %get3A_4, %dot_general3A {dimension_numbers = #tpu.dot_dimension_numbers<[1], [0], [0], [1], [0, 0, 1, 1], [], []>, transpose_lhs_hint = false} : vector<1024x13xbf16>, vector<13x512xbf16>, vector<1024x512xf32> -> vector<1024x512xf32>
    %get3A_6 = arith.constant 0 : index
    %get3A_7 = arith.constant 0 : index
    %get3A_8 = vector.load %arg4[%get3A_6, %get3A_7] : memref<1x512xf32, #tpu.memory_space<vmem>>, vector<1x512xf32>
    %add3A = vector.broadcast %get3A_8 : vector<1x512xf32> to vector<1024x512xf32>
    %add3A_9 = arith.addf %dot_general3A_5, %add3A : vector<1024x512xf32>
    %max3A = arith.constant 0.000000e+00 : f32
    %max3A_10 = vector.broadcast %max3A : f32 to vector<1024x512xf32>
    %max3A_11 = arith.maximumf %add3A_9, %max3A_10 : vector<1024x512xf32>
    %convert_element_type3A = arith.truncf %max3A_11 : vector<1024x512xf32> to vector<1024x512xbf16>
    %get3A_12 = arith.constant 0 : index
    %get3A_13 = arith.constant 0 : index
    %get3A_14 = vector.load %arg5[%get3A_12, %get3A_13] : memref<512x256xbf16, #tpu.memory_space<vmem>>, vector<512x256xbf16>
    %dot_general3A_15 = arith.constant dense<0.000000e+00> : vector<1024x256xf32>
    %dot_general3A_16 = tpu.matmul %convert_element_type3A, %get3A_14, %dot_general3A_15 {dimension_numbers = #tpu.dot_dimension_numbers<[1], [0], [0], [1], [0, 0, 1, 1], [], []>, transpose_lhs_hint = false} : vector<1024x512xbf16>, vector<512x256xbf16>, vector<1024x256xf32> -> vector<1024x256xf32>
    %get3A_17 = arith.constant 0 : index
    %get3A_18 = arith.constant 0 : index
    %get3A_19 = vector.load %arg6[%get3A_17, %get3A_18] : memref<1x256xf32, #tpu.memory_space<vmem>>, vector<1x256xf32>
    %add3A_20 = vector.broadcast %get3A_19 : vector<1x256xf32> to vector<1024x256xf32>
    %add3A_21 = arith.addf %dot_general3A_16, %add3A_20 : vector<1024x256xf32>
    %max3A_22 = arith.constant 0.000000e+00 : f32
    %max3A_23 = vector.broadcast %max3A_22 : f32 to vector<1024x256xf32>
    %max3A_24 = arith.maximumf %add3A_21, %max3A_23 : vector<1024x256xf32>
    %convert_element_type3A_25 = arith.truncf %max3A_24 : vector<1024x256xf32> to vector<1024x256xbf16>
    %get3A_26 = arith.constant 0 : index
    %get3A_27 = arith.constant 0 : index
    %get3A_28 = vector.load %arg7[%get3A_26, %get3A_27] : memref<256x32xbf16, #tpu.memory_space<vmem>>, vector<256x32xbf16>
    %dot_general3A_29 = arith.constant dense<0.000000e+00> : vector<1024x32xf32>
    %dot_general3A_30 = tpu.matmul %convert_element_type3A_25, %get3A_28, %dot_general3A_29 {dimension_numbers = #tpu.dot_dimension_numbers<[1], [0], [0], [1], [0, 0, 1, 1], [], []>, transpose_lhs_hint = false} : vector<1024x256xbf16>, vector<256x32xbf16>, vector<1024x32xf32> -> vector<1024x32xf32>
    %get3A_31 = arith.constant 0 : index
    %get3A_32 = arith.constant 0 : index
    %get3A_33 = vector.load %arg8[%get3A_31, %get3A_32] : memref<1x32xf32, #tpu.memory_space<vmem>>, vector<1x32xf32>
    %add3A_34 = vector.broadcast %get3A_33 : vector<1x32xf32> to vector<1024x32xf32>
    %add3A_35 = arith.addf %dot_general3A_30, %add3A_34 : vector<1024x32xf32>
    %max3A_36 = arith.constant 0.000000e+00 : f32
    %max3A_37 = vector.broadcast %max3A_36 : f32 to vector<1024x32xf32>
    %max3A_38 = arith.maximumf %add3A_35, %max3A_37 : vector<1024x32xf32>
    %convert_element_type3A_39 = arith.truncf %max3A_38 : vector<1024x32xf32> to vector<1024x32xbf16>
    %get3A_40 = arith.constant 0 : index
    %get3A_41 = arith.constant 0 : index
    %get3A_42 = vector.load %arg2[%get3A_40, %get3A_41] : memref<1024x832xf32, #tpu.memory_space<vmem>>, vector<1024x832xf32>
    %convert_element_type3A_43 = arith.truncf %get3A_42 : vector<1024x832xf32> to vector<1024x832xbf16>
    %concatenate3A = tpu.concatenate %convert_element_type3A_39, %convert_element_type3A_43 in 1 : vector<1024x32xbf16>, vector<1024x832xbf16> -> vector<1024x864xbf16>
    %reshape3A = vector.shape_cast %concatenate3A : vector<1024x864xbf16> to vector<1024x27x32xbf16>
    %dot_general3A_44 = arith.constant dense<0.000000e+00> : vector<1024x27x27xf32>
    %dot_general3A_45 = tpu.matmul %reshape3A, %reshape3A, %dot_general3A_44 {dimension_numbers = #tpu.dot_dimension_numbers<[2], [2], [1], [1], [0, 0, 0, 1, 1, 1], [0], [0]>, transpose_lhs_hint = false} : vector<1024x27x32xbf16>, vector<1024x27x32xbf16>, vector<1024x27x27xf32> -> vector<1024x27x27xf32>
    %reshape3A_46 = vector.shape_cast %dot_general3A_45 : vector<1024x27x27xf32> to vector<1024x729xf32>
    %convert_element_type3A_47 = arith.truncf %reshape3A_46 : vector<1024x729xf32> to vector<1024x729xbf16>
    %get3A_48 = arith.constant 0 : index
    %get3A_49 = arith.constant 0 : index
    %get3A_50 = vector.load %arg9[%get3A_48, %get3A_49] : memref<32x1024xbf16, #tpu.memory_space<vmem>>, vector<32x1024xbf16>
    %dot_general3A_51 = arith.constant dense<0.000000e+00> : vector<1024x1024xf32>
    %dot_general3A_52 = tpu.matmul %convert_element_type3A_39, %get3A_50, %dot_general3A_51 {dimension_numbers = #tpu.dot_dimension_numbers<[1], [0], [0], [1], [0, 0, 1, 1], [], []>, transpose_lhs_hint = false} : vector<1024x32xbf16>, vector<32x1024xbf16>, vector<1024x1024xf32> -> vector<1024x1024xf32>
    %get3A_53 = arith.constant 0 : index
    %get3A_54 = arith.constant 0 : index
    %get3A_55 = vector.load %arg10[%get3A_53, %get3A_54] : memref<729x1024xbf16, #tpu.memory_space<vmem>>, vector<729x1024xbf16>
    %dot_general3A_56 = arith.constant dense<0.000000e+00> : vector<1024x1024xf32>
    %dot_general3A_57 = tpu.matmul %convert_element_type3A_47, %get3A_55, %dot_general3A_56 {dimension_numbers = #tpu.dot_dimension_numbers<[1], [0], [0], [1], [0, 0, 1, 1], [], []>, transpose_lhs_hint = false} : vector<1024x729xbf16>, vector<729x1024xbf16>, vector<1024x1024xf32> -> vector<1024x1024xf32>
    %add3A_58 = arith.addf %dot_general3A_52, %dot_general3A_57 : vector<1024x1024xf32>
    %get3A_59 = arith.constant 0 : index
    %get3A_60 = arith.constant 0 : index
    %get3A_61 = vector.load %arg11[%get3A_59, %get3A_60] : memref<1x1024xf32, #tpu.memory_space<vmem>>, vector<1x1024xf32>
    %add3A_62 = vector.broadcast %get3A_61 : vector<1x1024xf32> to vector<1024x1024xf32>
    %add3A_63 = arith.addf %add3A_58, %add3A_62 : vector<1024x1024xf32>
    %max3A_64 = arith.constant 0.000000e+00 : f32
    %max3A_65 = vector.broadcast %max3A_64 : f32 to vector<1024x1024xf32>
    %max3A_66 = arith.maximumf %add3A_63, %max3A_65 : vector<1024x1024xf32>
    %convert_element_type3A_67 = arith.truncf %max3A_66 : vector<1024x1024xf32> to vector<1024x1024xbf16>
    %get3A_68 = arith.constant 0 : index
    %get3A_69 = arith.constant 0 : index
    %get3A_70 = vector.load %arg12[%get3A_68, %get3A_69] : memref<1024x1024xbf16, #tpu.memory_space<vmem>>, vector<1024x1024xbf16>
    %dot_general3A_71 = arith.constant dense<0.000000e+00> : vector<1024x1024xf32>
    %dot_general3A_72 = tpu.matmul %convert_element_type3A_67, %get3A_70, %dot_general3A_71 {dimension_numbers = #tpu.dot_dimension_numbers<[1], [0], [0], [1], [0, 0, 1, 1], [], []>, transpose_lhs_hint = false} : vector<1024x1024xbf16>, vector<1024x1024xbf16>, vector<1024x1024xf32> -> vector<1024x1024xf32>
    %get3A_73 = arith.constant 0 : index
    %get3A_74 = arith.constant 0 : index
    %get3A_75 = vector.load %arg13[%get3A_73, %get3A_74] : memref<1x1024xf32, #tpu.memory_space<vmem>>, vector<1x1024xf32>
    %add3A_76 = vector.broadcast %get3A_75 : vector<1x1024xf32> to vector<1024x1024xf32>
    %add3A_77 = arith.addf %dot_general3A_72, %add3A_76 : vector<1024x1024xf32>
    %max3A_78 = arith.constant 0.000000e+00 : f32
    %max3A_79 = vector.broadcast %max3A_78 : f32 to vector<1024x1024xf32>
    %max3A_80 = arith.maximumf %add3A_77, %max3A_79 : vector<1024x1024xf32>
    %convert_element_type3A_81 = arith.truncf %max3A_80 : vector<1024x1024xf32> to vector<1024x1024xbf16>
    %get3A_82 = arith.constant 0 : index
    %get3A_83 = arith.constant 0 : index
    %get3A_84 = vector.load %arg14[%get3A_82, %get3A_83] : memref<1024x512xbf16, #tpu.memory_space<vmem>>, vector<1024x512xbf16>
    %dot_general3A_85 = arith.constant dense<0.000000e+00> : vector<1024x512xf32>
    %dot_general3A_86 = tpu.matmul %convert_element_type3A_81, %get3A_84, %dot_general3A_85 {dimension_numbers = #tpu.dot_dimension_numbers<[1], [0], [0], [1], [0, 0, 1, 1], [], []>, transpose_lhs_hint = false} : vector<1024x1024xbf16>, vector<1024x512xbf16>, vector<1024x512xf32> -> vector<1024x512xf32>
    %get3A_87 = arith.constant 0 : index
    %get3A_88 = arith.constant 0 : index
    %get3A_89 = vector.load %arg15[%get3A_87, %get3A_88] : memref<1x512xf32, #tpu.memory_space<vmem>>, vector<1x512xf32>
    %add3A_90 = vector.broadcast %get3A_89 : vector<1x512xf32> to vector<1024x512xf32>
    %add3A_91 = arith.addf %dot_general3A_86, %add3A_90 : vector<1024x512xf32>
    %max3A_92 = arith.constant 0.000000e+00 : f32
    %max3A_93 = vector.broadcast %max3A_92 : f32 to vector<1024x512xf32>
    %max3A_94 = arith.maximumf %add3A_91, %max3A_93 : vector<1024x512xf32>
    %convert_element_type3A_95 = arith.truncf %max3A_94 : vector<1024x512xf32> to vector<1024x512xbf16>
    %get3A_96 = arith.constant 0 : index
    %get3A_97 = arith.constant 0 : index
    %get3A_98 = vector.load %arg16[%get3A_96, %get3A_97] : memref<512x256xbf16, #tpu.memory_space<vmem>>, vector<512x256xbf16>
    %dot_general3A_99 = arith.constant dense<0.000000e+00> : vector<1024x256xf32>
    %dot_general3A_100 = tpu.matmul %convert_element_type3A_95, %get3A_98, %dot_general3A_99 {dimension_numbers = #tpu.dot_dimension_numbers<[1], [0], [0], [1], [0, 0, 1, 1], [], []>, transpose_lhs_hint = false} : vector<1024x512xbf16>, vector<512x256xbf16>, vector<1024x256xf32> -> vector<1024x256xf32>
    %get3A_101 = arith.constant 0 : index
    %get3A_102 = arith.constant 0 : index
    %get3A_103 = vector.load %arg17[%get3A_101, %get3A_102] : memref<1x256xf32, #tpu.memory_space<vmem>>, vector<1x256xf32>
    %add3A_104 = vector.broadcast %get3A_103 : vector<1x256xf32> to vector<1024x256xf32>
    %add3A_105 = arith.addf %dot_general3A_100, %add3A_104 : vector<1024x256xf32>
    %max3A_106 = arith.constant 0.000000e+00 : f32
    %max3A_107 = vector.broadcast %max3A_106 : f32 to vector<1024x256xf32>
    %max3A_108 = arith.maximumf %add3A_105, %max3A_107 : vector<1024x256xf32>
    %convert_element_type3A_109 = arith.truncf %max3A_108 : vector<1024x256xf32> to vector<1024x256xbf16>
    %get3A_110 = arith.constant 0 : index
    %get3A_111 = arith.constant 0 : index
    %get3A_112 = vector.load %arg18[%get3A_110, %get3A_111] : memref<256x1xbf16, #tpu.memory_space<vmem>>, vector<256x1xbf16>
    %dot_general3A_113 = arith.constant dense<0.000000e+00> : vector<1024x1xf32>
    %dot_general3A_114 = tpu.matmul %convert_element_type3A_109, %get3A_112, %dot_general3A_113 {dimension_numbers = #tpu.dot_dimension_numbers<[1], [0], [0], [1], [0, 0, 1, 1], [], []>, transpose_lhs_hint = false} : vector<1024x256xbf16>, vector<256x1xbf16>, vector<1024x1xf32> -> vector<1024x1xf32>
    %get3A_115 = arith.constant 0 : index
    %get3A_116 = arith.constant 0 : index
    %get3A_117 = vector.load %arg19[%get3A_115, %get3A_116] : memref<1x1xf32, #tpu.memory_space<vmem>>, vector<1x1xf32>
    %add3A_118 = vector.broadcast %get3A_117 : vector<1x1xf32> to vector<1024x1xf32>
    %add3A_119 = arith.addf %dot_general3A_114, %add3A_118 : vector<1024x1xf32>
    %swap3A = arith.constant 0 : index
    %swap3A_120 = arith.constant 0 : index
    %swap3A_121 = vector.load %arg20[%swap3A, %swap3A_120] : memref<1024x1xf32, #tpu.memory_space<vmem>>, vector<1024x1xf32>
    tpu.vector_store %arg20[%swap3A, %swap3A_120], %add3A_119 {strides = array<i32>} : memref<1024x1xf32, #tpu.memory_space<vmem>>, vector<1024x1xf32>,
    return
  }
  func.func @transform_0(%arg0: i32) -> (i32, i32) {
    %c0_i32 = arith.constant 0 : i32
    %c0_i32_0 = arith.constant 0 : i32
    return %arg0, %c0_i32 : i32, i32
  }
  func.func @transform_1(%arg0: i32) -> (i32, i32) {
    %c0_i32 = arith.constant 0 : i32
    %c0_i32_0 = arith.constant 0 : i32
    return %arg0, %c0_i32 : i32, i32
  }
  func.func @transform_2(%arg0: i32) -> (i32, i32) {
    %c0_i32 = arith.constant 0 : i32
    %c0_i32_0 = arith.constant 0 : i32
    %c0_i32_1 = arith.constant 0 : i32
    return %c0_i32, %c0_i32_0 : i32, i32
  }
  func.func @transform_3(%arg0: i32) -> (i32, i32) {
    %c0_i32 = arith.constant 0 : i32
    %c0_i32_0 = arith.constant 0 : i32
    %c0_i32_1 = arith.constant 0 : i32
    return %c0_i32, %c0_i32_0 : i32, i32
  }
  func.func @transform_4(%arg0: i32) -> (i32, i32) {
    %c0_i32 = arith.constant 0 : i32
    %c0_i32_0 = arith.constant 0 : i32
    %c0_i32_1 = arith.constant 0 : i32
    return %c0_i32, %c0_i32_0 : i32, i32
  }
  func.func @transform_5(%arg0: i32) -> (i32, i32) {
    %c0_i32 = arith.constant 0 : i32
    %c0_i32_0 = arith.constant 0 : i32
    %c0_i32_1 = arith.constant 0 : i32
    return %c0_i32, %c0_i32_0 : i32, i32
  }
  func.func @transform_6(%arg0: i32) -> (i32, i32) {
    %c0_i32 = arith.constant 0 : i32
    %c0_i32_0 = arith.constant 0 : i32
    %c0_i32_1 = arith.constant 0 : i32
    return %c0_i32, %c0_i32_0 : i32, i32
  }
  func.func @transform_7(%arg0: i32) -> (i32, i32) {
    %c0_i32 = arith.constant 0 : i32
    %c0_i32_0 = arith.constant 0 : i32
    %c0_i32_1 = arith.constant 0 : i32
    return %c0_i32, %c0_i32_0 : i32, i32
  }
  func.func @transform_8(%arg0: i32) -> (i32, i32) {
    %c0_i32 = arith.constant 0 : i32
    %c0_i32_0 = arith.constant 0 : i32
    %c0_i32_1 = arith.constant 0 : i32
    return %c0_i32, %c0_i32_0 : i32, i32
  }
  func.func @transform_9(%arg0: i32) -> (i32, i32) {
    %c0_i32 = arith.constant 0 : i32
    %c0_i32_0 = arith.constant 0 : i32
    %c0_i32_1 = arith.constant 0 : i32
    return %c0_i32, %c0_i32_0 : i32, i32
  }
  func.func @transform_10(%arg0: i32) -> (i32, i32) {
    %c0_i32 = arith.constant 0 : i32
    %c0_i32_0 = arith.constant 0 : i32
    %c0_i32_1 = arith.constant 0 : i32
    return %c0_i32, %c0_i32_0 : i32, i32
  }
  func.func @transform_11(%arg0: i32) -> (i32, i32) {
    %c0_i32 = arith.constant 0 : i32
    %c0_i32_0 = arith.constant 0 : i32
    %c0_i32_1 = arith.constant 0 : i32
    return %c0_i32, %c0_i32_0 : i32, i32
  }
  func.func @transform_12(%arg0: i32) -> (i32, i32) {
    %c0_i32 = arith.constant 0 : i32
    %c0_i32_0 = arith.constant 0 : i32
    %c0_i32_1 = arith.constant 0 : i32
    return %c0_i32, %c0_i32_0 : i32, i32
  }
  func.func @transform_13(%arg0: i32) -> (i32, i32) {
    %c0_i32 = arith.constant 0 : i32
    %c0_i32_0 = arith.constant 0 : i32
    %c0_i32_1 = arith.constant 0 : i32
    return %c0_i32, %c0_i32_0 : i32, i32
  }
  func.func @transform_14(%arg0: i32) -> (i32, i32) {
    %c0_i32 = arith.constant 0 : i32
    %c0_i32_0 = arith.constant 0 : i32
    %c0_i32_1 = arith.constant 0 : i32
    return %c0_i32, %c0_i32_0 : i32, i32
  }
  func.func @transform_15(%arg0: i32) -> (i32, i32) {
    %c0_i32 = arith.constant 0 : i32
    %c0_i32_0 = arith.constant 0 : i32
    %c0_i32_1 = arith.constant 0 : i32
    return %c0_i32, %c0_i32_0 : i32, i32
  }
  func.func @transform_16(%arg0: i32) -> (i32, i32) {
    %c0_i32 = arith.constant 0 : i32
    %c0_i32_0 = arith.constant 0 : i32
    %c0_i32_1 = arith.constant 0 : i32
    return %c0_i32, %c0_i32_0 : i32, i32
  }
  func.func @transform_17(%arg0: i32) -> (i32, i32) {
    %c0_i32 = arith.constant 0 : i32
    %c0_i32_0 = arith.constant 0 : i32
    %c0_i32_1 = arith.constant 0 : i32
    return %c0_i32, %c0_i32_0 : i32, i32
  }
  func.func @transform_18(%arg0: i32) -> (i32, i32) {
    %c0_i32 = arith.constant 0 : i32
    %c0_i32_0 = arith.constant 0 : i32
    %c0_i32_1 = arith.constant 0 : i32
    return %c0_i32, %c0_i32_0 : i32, i32
  }
  func.func @transform_19(%arg0: i32) -> (i32, i32) {
    %c0_i32 = arith.constant 0 : i32
    %c0_i32_0 = arith.constant 0 : i32
    return %arg0, %c0_i32 : i32, i32
  }
}

</mosaic_0001>

<sc_bundles>
// kernel: kernel.5.cloned.1.call-start
scs
__scs_entry_jumppad:
0x0: {  	(pc) =	sbr.rel $0x88, $3  }
0x1: {  	(tag) =	ssettag $0x0;
	lr =	simm.s32 $0x1  }
0x2: {  	[smem:$0x3F8E] =	sst lr;
	_ =	strace $0xD0000000  }
0x3: {  	_ = 	snop  }
0x4: {  	_ = 	snop  }
0x5: {  	_ = 	snop  }
0x6: {  	_ = 	snop  }
0x7: {  	_ = 	snop  }
__scs_overlays_trampoline_lowered:
0x8: {  	[smem:$0x3F9D] =	sst s0  }
0x9: {  	[smem:$0x3F9E] =	sst s1  }
0xa: {  	[smem:$0x3F9F] =	sst s2  }
0xb: {  	[smem:$0x3FA0] =	sst s3  }
0xc: {  	[smem:$0x3FA1] =	sst s4  }
0xd: {  	[smem:$0x3FA2] =	sst s5  }
0xe: {  	[smem:$0x3FA3] =	sst s6  }
0xf: {  	[smem:$0x3FA4] =	sst s7  }
0x10: {  	[smem:$0x3FA5] =	sst s8  }
0x11: {  	[smem:$0x3FA6] =	sst s9;
	s0 =	simm.s32 @!p0 $0x0  }
0x12: {  	s1 =	sld [smem:$0x3F8C];
	s0 =	simm.s32 @p0 $0x1  }
0x13: {  	[smem:$0x3FA7] =	sst s0;
	s0 =	simm.s32 @!p1 $0x0  }
0x14: {  	s2 =	sld [smem:$0x3F8B];
	s0 =	simm.s32 @p1 $0x1  }
0x15: {  	[smem:$0x3FA8] =	sst s0;
	s0 =	simm.s32 @!p2 $0x0  }
0x16: {  	s3 =	sld [smem:$0x3FDB];
	s0 =	simm.s32 @p2 $0x1  }
0x17: {  	s4 =	simm.s32 $0x1BF5;
	[smem:$0x3FAA] =	sst s0  }
0x18: {  	s0 =	sld [smem:$0x3F8D];
	_ =	swait.ge [sflag:s4], $0x0  }
0x19: {  	s7 =	sld [smem:$0x3F8E]  }
0x1a: {  	s8 =	sadd.s32 $0xFFFFE003, lr  }
0x1b: {  	s9 =	sadd.s32 $0xFFFFFEF7, lr;
	s5 =	simm.s32 $0xFFFFFFFF;
	p2 =	slt.u32 s8, $0xFFFFF086  }
0x1c: {  	p1 =	slt.u32 s9, $0xF7A;
	s5 =	simm.s32 @!p2 $0x0  }
0x1d: {  	s5 =	simm.s32 @p1 $0x1;
	p0 =	seq.s32 s7, s2  }
0x1e: {  	s7 =	smul.u32 @!p0 $0xF7A, s2;
	p2 =	seq.s32 @!p0 s5, $0x0  }
0x1f: {  	s9 =	smul.u32 $0xF7A, s1;
	s8 =	simm.s32 @!p0 $0x1BF5;
	p2 =	por !p2, p0  }
0x20: {  	[sflag:s8] =	ssyncset.s32 @!p0 $0xFFFFF086;
	s6 =	sadd.s32 @!p0 s3, s7;
	s7 =	simm.s32 @!p0 $0x108  }
0x21: {  	s3 =	sadd.s32 s3, s9;
	s6 =	sadd.s32 @!p0 $0x88, s6;
	s7 =	simm.s32 @p2 $0x1082  }
0x22: {  	[simem:s7], [sflag:s8] =	dma.local @!p0 [hbm:s6], $0xF7A  }
0x23: {  	s9 =	sor.u32 $0xD0000000, s2;
	s6 =	simm.s32 $0x108;
	_ =	swait.ge @!p0 [sflag:s8], $0x0  }
0x24: {  	s3 =	sadd.s32 $0x88, s3;
	s6 =	simm.s32 @!p1 $0x1082;
	[sflag:s4] =	ssyncset.s32 $0xFFFFF086  }
0x25: {  	[simem:s6], [sflag:s4] =	dma.local [hbm:s3], $0xF7A  }
0x26: {  	[smem:$0x3F8E] =	sst s1;
	(tag) =	ssettag s2;
	_ =	strace s9  }
0x27: {  	s1 =	sld [smem:$0x3F9E]  }
0x28: {  	s2 =	sld [smem:$0x3F9F]  }
0x29: {  	s4 =	sld [smem:$0x3FA1]  }
0x2a: {  	p0 =	seq.s32 s5, $0x0;
	s5 =	sld [smem:$0x3FA2]  }
0x2b: {  	s6 =	sld [smem:$0x3FA3]  }
0x2c: {  	s7 =	sld [smem:$0x3FA4]  }
0x2d: {  	s3 =	simm.s32 $0x108;
	s8 =	sld [smem:$0x3FA5]  }
0x2e: {  	s3 =	simm.s32 @!p0 $0x1082;
	s9 =	sld [smem:$0x3FA6]  }
0x2f: {  	lr =	sadd.s32 s0, s3;
	s0 =	sld [smem:$0x3F9D]  }
0x30: {  	s3 =	sld [smem:$0x3FA0]  }
0x31: {  	[smem:$0x3FA9] =	sst s10  }
0x32: {  	s10 =	sld [smem:$0x3FA7];
	_ =	sdelay $0x3  }
0x33: {  	p0 =	seq.s32 s10, $0x1;
	s10 =	sld [smem:$0x3FA9];
	_ =	sdelay $0x3  }
0x34: {  	[smem:$0x3FA9] =	sst s10  }
0x35: {  	s10 =	sld [smem:$0x3FA8];
	_ =	sdelay $0x3  }
0x36: {  	p1 =	seq.s32 s10, $0x1;
	s10 =	sld [smem:$0x3FA9];
	_ =	sdelay $0x3  }
0x37: {  	[smem:$0x3FA9] =	sst s10  }
0x38: {  	s10 =	sld [smem:$0x3FAA]  }
0x39: {  	_ = 	snop;
	(pc) =	sbr.ind lr, $3  }
0x3a: {  	_ = 	snop  }
0x3b: {  	_ = 	snop  }
0x3c: {  	p2 =	seq.s32 s10, $0x1;
	s10 =	sld [smem:$0x3FA9]  }
0x3d: {  	_ =	shalt  }
0x3e: {  	_ =	shalt  }
0x3f: {  	_ =	shalt  }
0x40: {  	_ =	shalt  }
0x41: {  	_ =	shalt  }
0x42: {  	_ =	shalt  }
0x43: {  	_ =	shalt  }
0x44: {  	_ =	shalt  }
0x45: {  	_ =	shalt  }
0x46: {  	_ =	shalt  }
0x47: {  	_ =	shalt  }
0x48: {  	_ =	shalt  }
0x49: {  	_ =	shalt  }
0x4a: {  	_ =	shalt  }
0x4b: {  	_ =	shalt  }
0x4c: {  	_ =	shalt  }
0x4d: {  	_ =	shalt  }
0x4e: {  	_ =	shalt  }
0x4f: {  	_ =	shalt  }
0x50: {  	_ =	shalt  }
0x51: {  	_ =	shalt  }
0x52: {  	_ =	shalt  }
0x53: {  	_ =	shalt  }
0x54: {  	_ =	shalt  }
0x55: {  	_ =	shalt  }
0x56: {  	_ =	shalt  }
0x57: {  	_ =	shalt  }
0x58: {  	_ =	shalt  }
0x59: {  	_ =	shalt  }
0x5a: {  	_ =	shalt  }
0x5b: {  	_ =	shalt  }
0x5c: {  	_ =	shalt  }
0x5d: {  	_ =	shalt  }
0x5e: {  	_ =	shalt  }
0x5f: {  	_ =	shalt  }
0x60: {  	_ =	shalt  }
0x61: {  	_ =	shalt  }
0x62: {  	_ =	shalt  }
0x63: {  	_ =	shalt  }
0x64: {  	_ =	shalt  }
0x65: {  	_ =	shalt  }
0x66: {  	_ =	shalt  }
0x67: {  	_ =	shalt  }
0x68: {  	_ =	shalt  }
0x69: {  	_ =	shalt  }
0x6a: {  	_ =	shalt  }
0x6b: {  	_ =	shalt  }
0x6c: {  	_ =	shalt  }
0x6d: {  	_ =	shalt  }
0x6e: {  	_ =	shalt  }
0x6f: {  	_ =	shalt  }
0x70: {  	_ =	shalt  }
0x71: {  	_ =	shalt  }
0x72: {  	_ =	shalt  }
0x73: {  	_ =	shalt  }
0x74: {  	_ =	shalt  }
0x75: {  	_ =	shalt  }
0x76: {  	_ =	shalt  }
0x77: {  	_ =	shalt  }
0x78: {  	_ =	shalt  }
0x79: {  	_ =	shalt  }
0x7a: {  	_ =	shalt  }
0x7b: {  	_ =	shalt  }
0x7c: {  	_ =	shalt  }
0x7d: {  	_ =	shalt  }
0x7e: {  	_ =	shalt  }
0x7f: {  	_ =	shalt  }
0x80: {  	_ =	shalt  }
0x81: {  	_ =	shalt  }
0x82: {  	_ =	shalt  }
0x83: {  	_ =	shalt  }
0x84: {  	_ =	shalt  }
0x85: {  	_ =	shalt  }
0x86: {  	_ =	shalt  }
0x87: {  	_ =	shalt  }
.Lfunc_end0:
.L_simem_size_0:
called_computation_lowered:
.L_overlay_start_0:
0x88: {  	s2 =	sld [smem:$0x3FD9]  }
0x89: {  	s3 =	sld [smem:$0x3FFE];
	_ =	sdelay $0x1  }
0x8a: {  	s1 =	srdreg.scid  }
0x8b: {  	s0 =	sand.u32 $0x1, s1  }
0x8c: {  	s17 =	sshll.u32 s0, $0xA;
	s2 =	sadd.s32 s3, s2  }
0x8d: {  	s2 =	sadd.s32 s2, s17  }
0x8e: {  	[smem:$0x3FB5] =	sst s2  }
0x8f: {  	_ = 	snop  }
0x90: {  	s2 =	sld [smem:$0x3FC7];
	(tm) =	ssettm $0x1  }
0x91: {  	s18 =	sld [smem:$0x3FFB];
	_ =	sdelay $0x3  }
0x92: {  	_ =	strace s18  }
0x93: {  	s3 =	sld [smem:$0x3FFC];
	_ =	sdelay $0x3  }
0x94: {  	_ =	strace s3  }
0x95: {  	s3 =	sld [smem:$0x3FFD];
	_ =	sdelay $0x3  }
0x96: {  	_ =	strace s3  }
0x97: {  	_ =	strace $0x8FFFFFFF  }
0x98: {  	s19 =	sld [smem:$0x3FDB];
	_ =	sdelay $0x1  }
0x99: {  	s4 =	simm.s32 $_scs_section_size  }
0x9a: {  	s5 =	simm.s32 $_size__tile_overlayer_lowered;
	s6 =	simm.s32 $_tile_overlayer_lowered  }
0x9b: {  	s22 =	simm.s32 $0x1BFF;
	s21 =	sshll.u32 s6, $0x1;
	s3 =	sadd.s32 s4, s19  }
0x9c: {  	s7 =	simm.s32 $0x0;
	s20 =	sshll.u32 s5, $0x1;
	s5 =	sadd.s32 s21, s3  }
0x9d: {  	[timem:s7], [sflag:s22] =	dma.local [hbm:s5], s20  }
0x9e: {  	_ =	swait.ge [sflag:s22], s20  }
0x9f: {  	s4 =	ssub.s32 $0x0, s20;
	[sflag:s22] =	ssyncset.done $0x0  }
0xa0: {  	[sflag:s22] =	ssyncadd.s32 s4;
	_ =	sdelay $0x1  }
0xa1: {  	s23 =	simm.s32 $0x1B8B  }
0xa2: {  	_ =	swait.ge [sflag:s23], $0x1  }
0xa3: {  	[sflag:s23] =	ssyncset.done $0x0  }
0xa4: {  	s25 =	simm.s32 $0x1B8E;
	s24 =	sld [smem:$0x3FFE];
	[sflag:s23] =	ssyncadd.s32 $0xFFFFFFFF  }
0xa5: {  	s26 =	simm.s32 $execute0_lowered;
	[smem:$0x3FD2] =	sst s25  }
0xa6: {  	s5 =	sshll.u32 s26, $0x1;
	_ =	strace $0x80000046;
	[dreg:$0x1] =	wrdreg $0xFFFFFFFF  }
0xa7: {  	s28 =	simm.s32 $_size_execute0_lowered;
	s3 =	sadd.s32 s3, s5;
	[dreg:$0x0] =	wrdreg $0x0  }
0xa8: {  	s5 =	sshll.u32 s28, $0x1;
	[dreg:$0x2] =	wrdreg s3  }
0xa9: {  	[dreg:$0x3] =	wrdreg s5  }
0xaa: {  	[dreg:$0x4] =	wrdreg $0xC0  }
0xab: {  	_ =	task [dreg:s7], $0x5FFFF  }
0xac: {  	[dreg:$0x1] =	wrdreg $0xFFFFFFFF  }
0xad: {  	[dreg:$0x0] =	wrdreg $0x60  }
0xae: {  	[dreg:$0x2] =	wrdreg s2  }
0xaf: {  	[dreg:$0x3] =	wrdreg s24  }
0xb0: {  	[dreg:$0x4] =	wrdreg $0x9  }
0xb1: {  	_ =	task.clear_ibuf [dreg:s7], $0x5FFFF;
	_ =	strace $0x90000046  }
0xb2: {  	s29 =	simm.s32 $0x9;
	_ =	strace $0x80000048  }
0xb3: {  	_ =	swait.ge [sflag:s29], $0x1  }
0xb4: {  	[sflag:s29] =	ssyncadd.s32 $0xFFFFFFFF  }
0xb5: {  	_ =	strace $0x90000048  }
0xb6: {  	_ =	sfence  }
0xb7: {  	s30 =	sld [smem:$0x0];
	_ =	sdelay $0x2  }
0xb8: {  	s31 =	sshll.u32 s1, $0xD;
	s1 =	sshrl.u32 s1, $0x2  }
0xb9: {  	s3 =	sand.u32 $0x4000, s31;
	s1 =	sadd.s32 s1, s30  }
0xba: {  	s0 =	sor.u32 s3, s0;
	s1 =	sshll.u32 s1, $0x11  }
0xbb: {  	s0 =	sor.u32 s1, s0  }
0xbc: {  	s0 =	sadd.s32 $0x8F2B, s0  }
0xbd: {  	[sflag:s0] =	ssyncadd.remote.s32 $0x1  }
0xbe: {  	_ =	sfence.sel $0xFFFF  }
0xbf: {  	[dreg:$0x0] =	wrdreg $0xFFFFFFFF;
	(pc) =	sbr.abs _section_cstart, $3  }
0xc0: {  	[dreg:$0x1] =	wrdreg $0xFFFFFFFF  }
0xc1: {  	_ =	task.clear_ibuf [dreg:s7], $0x2FFFF;
	_ =	strace $0x9FFFFFFF  }
0xc2: {  	(tm) =	ssettm $0x7FFFFFFF  }
0xc3: {  	_ =	shalt  }
tec
execute0_lowered:
.L_overlay_start_1:
0x0: {  	(tag) =	ssettag $0x1  }
0x1: {  	s1 =	stileid.u32  }
0x2: {  	p0 =	sgt.u32 s1, $0xC  }
.Ltmp0:
0x3: {  	_ = 	snop;
	(pc) =	sbr.rel @p0 .LBB2_29-.Ltmp0, $4  }
0x4: {  	_ = 	snop  }
0x5: {  	s2 =	rddreg [dreg:$0x0];
	s3 =	simm.s32 $0x0  }
0x6: {  	[smem:$0x7FF] =	sst s3  }
0x7: {  	s0 =	rddreg [dreg:$0x1];
	_ =	strace $0x80000047  }
0x8: {  	v0 =	vlaneseq.u32;
	v3 =	vimm.s32 $0x0;
	v6 =	vimm.s32 $0x1B80  }
0x9: {  	vm0 =	vcmask $0x300;
	v7 =	vimm.s32 $0x4B80;
	vm1 =	vcmask $0x704  }
0xa: {  	vm15 =	vcmask $0xB08;
	vm4 =	vcmask $0xF0C;
	vm5 =	vcmask $0x1310  }
0xb: {  	vm6 =	vcmask $0x1714;
	v6 =	vsel vm0, $0x0, v6;
	v7 =	vsel vm0, $0x3000, v7  }
0xc: {  	vm7 =	vcmask $0x1B18;
	v6 =	vsel vm1, $0x80, v6;
	v7 =	vsel vm1, $0x3080, v7  }
0xd: {  	vm8 =	vcmask $0x1F1C;
	v6 =	vsel vm15, $0x100, v6;
	v7 =	vsel vm15, $0x3100, v7  }
0xe: {  	s1 =	srdreg.scid;
	s4 =	stileid.u32;
	vm9 =	vcmask $0x2320;
	v6 =	vsel vm4, $0x180, v6;
	v7 =	vsel vm4, $0x3180, v7  }
0xf: {  	s10 =	sadd.s32 $0x2A00, s0;
	vm10 =	vcmask $0x2724;
	s12 =	simm.s32 $0x3;
	s13 =	simm.s32 $0x4000;
	v6 =	vsel vm5, $0x200, v6;
	v7 =	vsel vm5, $0x3200, v7  }
0x10: {  	vm11 =	vcmask $0x2B28;
	s14 =	simm.s32 $0x4A00;
	s15 =	simm.s32 $0x5500;
	s16 =	simm.s32 $0x9580;
	v6 =	vsel vm6, $0x280, v6;
	v7 =	vsel vm6, $0x3280, v7  }
0x11: {  	vm12 =	vcmask $0x2F2C;
	s19 =	simm.s32 $0xD580;
	s20 =	simm.s32 $0x1;
	s21 =	simm.s32 $0x19580;
	v6 =	vsel vm7, $0x300, v6;
	v7 =	vsel vm7, $0x3300, v7  }
0x12: {  	vm13 =	vcmask $0x3330;
	s22 =	simm.s32 $0x2;
	s1 =	sand.u32 $0x1, s1;
	s4 =	sshll.u32 s4, $0x1;
	v6 =	vsel vm8, $0x380, v6;
	v7 =	vsel vm8, $0x3380, v7  }
0x13: {  	vm14 =	vcmask $0x3734;
	s23 =	simm.s32 $0x0;
	s5 =	sor.u32 s1, s4;
	s1 =	ssub.s32 $0x2, s1;
	v6 =	vsel vm9, $0x1800, v6;
	v7 =	vsel vm9, $0x4800, v7  }
0x14: {  	v1 =	vmul.u32 $0xA0, v0;
	s6 =	sshll.u32 s5, $0x9;
	s7 =	sshll.u32 s5, $0x10;
	s4 =	smul.u32 $0x30E000, s5;
	v6 =	vsel vm10, $0x1880, v6;
	v7 =	vsel vm10, $0x4880, v7  }
.Ltmp1:
0x15: {  	v5 =	vmul.u32 $0x1A, v0;
	s11 =	sshll.u32 s5, $0xB;
	s9 =	sshrl.u32 s1, $0x1;
	v6 =	vsel vm11, $0x1900, v6;
	v7 =	vsel vm11, $0x4900, v7;
	(pc) =	sbr.rel .LBB2_2-.Ltmp1, $4  }
0x16: {  	v8 =	vor.u32 $0x10, v0;
	s6 =	sadd.s32 s6, s0;
	s8 =	sadd.s32 s7, s0;
	s30 =	sadd.s32 s11, s0;
	v6 =	vsel vm12, $0x1980, v6;
	v7 =	vsel vm12, $0x4980, v7  }
0x17: {  	v2 =	vmov s5;
	s1 =	ssub.s32 s1, s9;
	s10 =	sadd.s32 s10, s11;
	s31 =	sshrl.u32 s4, $0x3;
	v6 =	vsel vm13, $0x1A00, v6;
	v7 =	vsel vm13, $0x4A00, v7  }
0x18: {  	vm15 =	vcmask $0x3B38;
	s6 =	sadd.s32 $0xFA00, s6;
	s8 =	sadd.s32 $0x1FE00, s8;
	s5 =	sadd.s32 s2, s31;
	v6 =	vsel vm14, $0x1A80, v6;
	v7 =	vsel vm14, $0x4A80, v7  }
0x19: {  	v4 =	vadd.s32 $0x83, v1;
	s9 =	sadd.s32 $0x12E00, s30;
	s11 =	smax.u32 s1, $0x1;
	s7 =	sadd.s32 $0x18600, s5;
	v6 =	vsel vm15, $0x1B00, v6;
	v7 =	vsel vm15, $0x4B00, v7  }
.LBB2_28:
0x1a: {  	_ =	swait.ge [sflag:s22], $0x2000;
	s23 =	sadd.s32 $0x1, s23  }
0x1b: {  	[sflag:s22] =	ssyncset.done $0x0;
	p0 =	sne.s32 s23, s11  }
.Ltmp2:
0x1c: {  	[sflag:s22] =	ssyncadd.s32 $0xFFFFE000;
	(pc) =	sbr.rel @!p0 .LBB2_29-.Ltmp2, $4  }
0x1d: {  	[hbm4b:s9+s3] =	stream.linear.scatter [tilespmem:s16], [sflag:$0x3], $0x4000, $0x38;
	[tilespmem:$0x1D580] =	vst v63  }
0x1e: {  	_ =	swait.ge [sflag:s12], $0x4000  }
0x1f: {  	[sflag:s12] =	ssyncset.done $0x0  }
0x20: {  	[sflag:s12] =	ssyncadd.s32 $0xFFFFC000  }
.LBB2_2:
0x21: {  	s0 =	simm.s32 $0x0  }
0x22: {  	[tilespmem:s0], [sflag:$0x3] =	stream.linear.gather [hbm4b:s10+s0], $0x4000, $0x38;
	[tilespmem:$0x1D580] =	vst v63  }
0x23: {  	_ =	swait.ge [sflag:s12], $0x4000  }
0x24: {  	[sflag:s12] =	ssyncset.done $0x0  }
0x25: {  	s1 =	simm.s32 $0x40;
	s24 =	simm.s32 $0x0;
	[sflag:s12] =	ssyncadd.s32 $0xFFFFC000  }
.LBB2_3:
0x26: {  	p0 =	sne.s32 s1, $0x27C0;
	[tilespmem:s24+$0x4000] =	vst v3;
	s24 =	smov.u32 s1;
	s1 =	sadd.s32 $0x40, s1  }
.Ltmp3:
0x27: {  	(pc) =	sbr.rel @p0 .LBB2_3-.Ltmp3, $2  }
0x28: {  	_ =	sdelay $0x2  }
0x29: {  	s24 =	sshra.s32 s24, $0x2  }
0x2a: {  	[tilespmem:s24+$0x4000] =	vst v3;
	s1 =	sand.u32 $0x3FF0, s0;
	s0 =	simm.s32 $0x10  }
.LBB2_5:
0x2b: {  	p0 =	sne.s32 s0, $0x3FF0;
	v9 =	vld [tilespmem:s1+$0x0];
	_ =	sdelay $0x4  }
0x2c: {  	v10 =	vshra.s32 v9, $0x8  }
0x2d: {  	v10 =	vmul.u32 $0x2AB, v10;
	_ =	sdelay $0x1  }
0x2e: {  	v10 =	vshra.s32 v10, $0xB  }
0x2f: {  	vm0 =	vlt.s32 v10, $0x82  }
0x30: {  	v10 =	vnsel vm0, $0x82, v10  }
0x31: {  	vm0 =	vgt.s32 v9, $0x1867F;
	v9 =	vadd.s32 v1, v10  }
0x32: {  	v9 =	vsel vm0, v4, v9;
	_ =	sdelay $0x4  }
0x33: {  	v10 =	vld.idx.msk [tilespmem:v9+s13+$0x0], $0xffff;
	_ =	sdelay $0x2  }
.Ltmp4:
0x34: {  	(pc) =	sbr.rel @p0 .LBB2_5-.Ltmp4, $3  }
0x35: {  	_ =	sdelay $0x1  }
0x36: {  	v10 =	vadd.s32 $0x1, v10  }
0x37: {  	s1 =	sand.u32 $0x3FF0, s0;
	s0 =	sadd.s32 $0x10, s0;
	[tilespmem:v9+s13+$0x0] =	vst.idx.msk $0xffff, v10  }
0x38: {  	v9 =	vld [tilespmem:s1+$0x0];
	_ =	sdelay $0x4  }
0x39: {  	v10 =	vshra.s32 v9, $0x8  }
0x3a: {  	v10 =	vmul.u32 $0x2AB, v10;
	_ =	sdelay $0x1  }
0x3b: {  	v10 =	vshra.s32 v10, $0xB  }
0x3c: {  	vm0 =	vlt.s32 v10, $0x82  }
0x3d: {  	v10 =	vnsel vm0, $0x82, v10  }
0x3e: {  	vm15 =	vgt.s32 v9, $0x1867F;
	v9 =	vadd.s32 v1, v10  }
0x3f: {  	v9 =	vsel vm15, v4, v9;
	_ =	sdelay $0x4  }
0x40: {  	v10 =	vld.idx.msk [tilespmem:v9+s13+$0x0], $0xffff;
	_ =	sdelay $0x4  }
0x41: {  	v10 =	vadd.s32 $0x1, v10  }
0x42: {  	s25 =	simm.s32 $0x0;
	[tilespmem:v9+s13+$0x0] =	vst.idx.msk $0xffff, v10  }
0x43: {  	v9 =	vld [tilespmem:s25+$0x4000]  }
0x44: {  	v10 =	vld [tilespmem:s25+$0x40A0]  }
0x45: {  	v11 =	vld [tilespmem:s25+$0x4140]  }
0x46: {  	v12 =	vld [tilespmem:s25+$0x41E0]  }
0x47: {  	v13 =	vld [tilespmem:s25+$0x4280]  }
0x48: {  	v14 =	vld [tilespmem:s25+$0x4320]  }
0x49: {  	v9 =	vadd.s32 v9, v10;
	v10 =	vld [tilespmem:s25+$0x43C0]  }
0x4a: {  	v9 =	vadd.s32 v9, v11;
	v11 =	vld [tilespmem:s25+$0x4460]  }
0x4b: {  	v9 =	vadd.s32 v9, v12;
	v12 =	vld [tilespmem:s25+$0x4500]  }
0x4c: {  	v9 =	vadd.s32 v9, v13;
	v13 =	vld [tilespmem:s25+$0x45A0]  }
0x4d: {  	v9 =	vadd.s32 v9, v14;
	v14 =	vld [tilespmem:s25+$0x4640]  }
0x4e: {  	v9 =	vadd.s32 v9, v10;
	v10 =	vld [tilespmem:s25+$0x46E0]  }
0x4f: {  	v9 =	vadd.s32 v9, v11;
	v11 =	vld [tilespmem:s25+$0x4780]  }
0x50: {  	v9 =	vadd.s32 v9, v12;
	v12 =	vld [tilespmem:s25+$0x4820]  }
0x51: {  	v9 =	vadd.s32 v9, v13;
	v13 =	vld [tilespmem:s25+$0x48C0]  }
0x52: {  	v9 =	vadd.s32 v9, v14;
	v14 =	vld [tilespmem:s25+$0x4960]  }
0x53: {  	v15 =	vld [tilespmem:s25+$0x4640];
	v10 =	vadd.s32 v9, v10  }
0x54: {  	v16 =	vld [tilespmem:s25+$0x45A0];
	v11 =	vadd.s32 v10, v11  }
0x55: {  	v17 =	vld [tilespmem:s25+$0x4500];
	v12 =	vadd.s32 v11, v12  }
0x56: {  	v18 =	vld [tilespmem:s25+$0x4460];
	v12 =	vadd.s32 v12, v13  }
0x57: {  	v19 =	vld [tilespmem:s25+$0x43C0];
	v12 =	vadd.s32 v12, v14  }
0x58: {  	v20 =	vld [tilespmem:s25+$0x4000];
	(xrf0) =	vadd.scan.msk.s32 $0xffff, v12  }
0x59: {  	v25 =	vld [tilespmem:s25+$0x40A0]  }
0x5a: {  	v21 =	vld [tilespmem:s25+$0x4140]  }
0x5b: {  	v23 =	vld [tilespmem:s25+$0x41E0]  }
0x5c: {  	v22 =	vld [tilespmem:s25+$0x4280]  }
0x5d: {  	v24 =	vld [tilespmem:s25+$0x4320]  }
0x5e: {  	v9 =	vld [tilespmem:s25+$0x48C0];
	v14, _, _ =	vpop (xrf0)  }
0x5f: {  	s24 =	simm.s32 $0x0;
	v10 =	vld [tilespmem:s25+$0x4820];
	v12 =	vsub.s32 v14, v12  }
0x60: {  	v11 =	vld [tilespmem:s25+$0x4780];
	v12 =	vadd.s32 s24, v12  }
0x61: {  	s26 =	simm.s32 $0x10;
	v13 =	vld [tilespmem:s25+$0x46E0];
	[tilespmem:s25+$0x5400] =	vst v12;
	v26 =	vadd.s32 v12, v20  }
0x62: {  	s29 =	simm.s32 $0x80;
	s28 =	simm.s32 $0x0;
	v20 =	vld [tilespmem:s26+$0x4000];
	[tilespmem:s25+$0x4AA0] =	vst v26;
	v25 =	vadd.s32 v26, v25  }
.LBB2_7:
0x63: {  	p0 =	sne.s32 s29, $0x240;
	v26 =	vld [tilespmem:s26+$0x40A0];
	[tilespmem:s25+$0x4B40] =	vst v25;
	v21 =	vadd.s32 v25, v21  }
0x64: {  	v25 =	vld [tilespmem:s26+$0x4140];
	[tilespmem:s25+$0x4BE0] =	vst v21;
	v21 =	vadd.s32 v21, v23  }
0x65: {  	v23 =	vld [tilespmem:s26+$0x41E0];
	[tilespmem:s25+$0x4C80] =	vst v21;
	v21 =	vadd.s32 v21, v22  }
0x66: {  	v22 =	vld [tilespmem:s26+$0x4280];
	[tilespmem:s25+$0x4D20] =	vst v21;
	v21 =	vadd.s32 v21, v24  }
0x67: {  	v24 =	vld [tilespmem:s26+$0x4320];
	[tilespmem:s25+$0x4DC0] =	vst v21;
	v19 =	vadd.s32 v21, v19  }
0x68: {  	v20 =	vadd.s32 v20, v26;
	v21 =	vld [tilespmem:s26+$0x43C0];
	[tilespmem:s25+$0x4E60] =	vst v19;
	v18 =	vadd.s32 v19, v18  }
0x69: {  	v19 =	vadd.s32 v20, v25;
	v20 =	vld [tilespmem:s26+$0x4460];
	[tilespmem:s25+$0x4F00] =	vst v18;
	v17 =	vadd.s32 v18, v17  }
0x6a: {  	v18 =	vadd.s32 v19, v23;
	v19 =	vld [tilespmem:s26+$0x4500];
	[tilespmem:s25+$0x4FA0] =	vst v17;
	v16 =	vadd.s32 v17, v16  }
0x6b: {  	v17 =	vadd.s32 v18, v22;
	v18 =	vld [tilespmem:s26+$0x45A0];
	[tilespmem:s25+$0x5040] =	vst v16;
	v15 =	vadd.s32 v16, v15  }
0x6c: {  	v16 =	vadd.s32 v17, v24;
	v17 =	vld [tilespmem:s26+$0x4640];
	[tilespmem:s25+$0x50E0] =	vst v15;
	v13 =	vadd.s32 v15, v13  }
0x6d: {  	v15 =	vadd.s32 v16, v21;
	v16 =	vld [tilespmem:s26+$0x46E0];
	[tilespmem:s25+$0x5180] =	vst v13;
	v11 =	vadd.s32 v13, v11  }
0x6e: {  	v13 =	vadd.s32 v15, v20;
	v15 =	vld [tilespmem:s26+$0x4780];
	[tilespmem:s25+$0x5220] =	vst v11;
	v10 =	vadd.s32 v11, v10;
	(v2sf) =	vpush v14, $0xF  }
0x6f: {  	v11 =	vadd.s32 v13, v19;
	v13 =	vld [tilespmem:s26+$0x4820];
	[tilespmem:s25+$0x52C0] =	vst v10;
	v9 =	vadd.s32 v10, v9  }
0x70: {  	v10 =	vadd.s32 v11, v18;
	v14 =	vld [tilespmem:s26+$0x48C0];
	[tilespmem:s25+$0x5360] =	vst v9  }
0x71: {  	v9 =	vadd.s32 v10, v17;
	v17 =	vld [tilespmem:s26+$0x4960];
	[tilespmem:s25+$0x4A00] =	vst v12;
	s25 =	smov.u32 s26  }
0x72: {  	v10 =	vadd.s32 v9, v16;
	v9 =	vld [tilespmem:s25+$0x48C0]  }
0x73: {  	v11 =	vadd.s32 v10, v15;
	v10 =	vld [tilespmem:s25+$0x4820]  }
0x74: {  	v12 =	vadd.s32 v11, v13;
	v11 =	vld [tilespmem:s25+$0x4780]  }
0x75: {  	v12 =	vadd.s32 v12, v14;
	v13 =	vld [tilespmem:s25+$0x46E0]  }
0x76: {  	v12 =	vadd.s32 v12, v17;
	v15 =	vld [tilespmem:s25+$0x4640]  }
0x77: {  	v16 =	vld [tilespmem:s25+$0x45A0];
	(xrf0) =	vadd.scan.msk.s32 $0xffff, v12  }
0x78: {  	v17 =	vld [tilespmem:s25+$0x4500]  }
0x79: {  	v18 =	vld [tilespmem:s25+$0x4460]  }
0x7a: {  	v19 =	vld [tilespmem:s25+$0x43C0]  }
0x7b: {  	v20 =	vld [tilespmem:s25+$0x4000]  }
0x7c: {  	v25 =	vld [tilespmem:s25+$0x40A0]  }
.Ltmp5:
0x7d: {  	v21 =	vld [tilespmem:s25+$0x4140];
	v14, _, _ =	vpop (xrf0);
	s0 =	spop (v2sf);
	(pc) =	sbr.rel @p0 .LBB2_7-.Ltmp5, $4  }
0x7e: {  	v12 =	vsub.s32 v14, v12;
	v23 =	vld [tilespmem:s25+$0x41E0];
	s28 =	sadd.s32 s28, s0  }
0x7f: {  	v12 =	vadd.s32 s28, v12;
	v22 =	vld [tilespmem:s25+$0x4280]  }
0x80: {  	s26 =	sshra.s32 s29, $0x2;
	[tilespmem:s25+$0x5400] =	vst v12;
	v26 =	vadd.s32 v12, v20;
	v24 =	vld [tilespmem:s25+$0x4320]  }
0x81: {  	s29 =	sadd.s32 $0x40, s29;
	v20 =	vld [tilespmem:s26+$0x4000];
	[tilespmem:s25+$0x4AA0] =	vst v26;
	v25 =	vadd.s32 v26, v25  }
0x82: {  	v26 =	vld [tilespmem:s26+$0x40A0];
	[tilespmem:s25+$0x4B40] =	vst v25;
	v21 =	vadd.s32 v25, v21  }
0x83: {  	v38 =	vld [tilespmem:s26+$0x4140];
	[tilespmem:s25+$0x4BE0] =	vst v21;
	v21 =	vadd.s32 v21, v23  }
0x84: {  	v39 =	vld [tilespmem:s26+$0x41E0];
	[tilespmem:s25+$0x4C80] =	vst v21;
	v21 =	vadd.s32 v21, v22  }
0x85: {  	v40 =	vld [tilespmem:s26+$0x4280];
	[tilespmem:s25+$0x4D20] =	vst v21;
	v21 =	vadd.s32 v21, v24  }
0x86: {  	v41 =	vld [tilespmem:s26+$0x4320];
	[tilespmem:s25+$0x4DC0] =	vst v21;
	v19 =	vadd.s32 v21, v19  }
0x87: {  	v42 =	vld [tilespmem:s26+$0x43C0];
	[tilespmem:s25+$0x4E60] =	vst v19;
	v18 =	vadd.s32 v19, v18;
	v20 =	vadd.s32 v20, v26  }
0x88: {  	v43 =	vld [tilespmem:s26+$0x4460];
	[tilespmem:s25+$0x4F00] =	vst v18;
	v17 =	vadd.s32 v18, v17;
	v20 =	vadd.s32 v20, v38  }
0x89: {  	v44 =	vld [tilespmem:s26+$0x4500];
	[tilespmem:s25+$0x4FA0] =	vst v17;
	v16 =	vadd.s32 v17, v16;
	v20 =	vadd.s32 v20, v39  }
0x8a: {  	v45 =	vld [tilespmem:s26+$0x45A0];
	[tilespmem:s25+$0x5040] =	vst v16;
	v15 =	vadd.s32 v16, v15;
	v20 =	vadd.s32 v20, v40  }
0x8b: {  	v46 =	vld [tilespmem:s26+$0x4640];
	[tilespmem:s25+$0x50E0] =	vst v15;
	v13 =	vadd.s32 v15, v13;
	v20 =	vadd.s32 v20, v41  }
0x8c: {  	v47 =	vld [tilespmem:s26+$0x46E0];
	[tilespmem:s25+$0x5180] =	vst v13;
	v11 =	vadd.s32 v13, v11;
	v20 =	vadd.s32 v20, v42  }
0x8d: {  	(v2sf) =	vpush v14, $0xF;
	v48 =	vld [tilespmem:s26+$0x4780];
	[tilespmem:s25+$0x5220] =	vst v11;
	v10 =	vadd.s32 v11, v10;
	v19 =	vadd.s32 v20, v43  }
0x8e: {  	v11 =	vld [tilespmem:s26+$0x4820];
	[tilespmem:s25+$0x52C0] =	vst v10;
	v9 =	vadd.s32 v10, v9;
	v49 =	vadd.s32 v19, v44  }
0x8f: {  	v10 =	vld [tilespmem:s26+$0x48C0];
	[tilespmem:s25+$0x5360] =	vst v9;
	v9 =	vadd.s32 v49, v45  }
0x90: {  	v50 =	vld [tilespmem:s26+$0x4960];
	v9 =	vadd.s32 v9, v46  }
0x91: {  	v9 =	vadd.s32 v9, v47  }
0x92: {  	v9 =	vadd.s32 v9, v48  }
0x93: {  	v9 =	vadd.s32 v9, v11  }
0x94: {  	v9 =	vadd.s32 v9, v10  }
0x95: {  	v9 =	vadd.s32 v9, v50  }
0x96: {  	(xrf0) =	vadd.scan.msk.s32 $0xffff, v9;
	_ =	sdelay $0x3  }
0x97: {  	[tilespmem:s25+$0x4A00] =	vst v12  }
0x98: {  	v57 =	vld [tilespmem:s26+$0x4000]  }
0x99: {  	v58 =	vld [tilespmem:s26+$0x40A0];
	s0 =	spop (v2sf);
	v60, _, _ =	vpop (xrf0)  }
0x9a: {  	v59 =	vld [tilespmem:s26+$0x4140];
	s0 =	sadd.s32 s28, s0;
	v9 =	vsub.s32 v60, v9  }
0x9b: {  	v61 =	vld [tilespmem:s26+$0x41E0];
	v9 =	vadd.s32 s0, v9  }
0x9c: {  	v62 =	vld [tilespmem:s26+$0x4280];
	[tilespmem:s26+$0x5400] =	vst v9  }
0x9d: {  	v63 =	vld [tilespmem:s26+$0x4320];
	(v2sf) =	vpush v60, $0xF;
	v19 =	vadd.s32 v9, v57;
	[tilespmem:s26+$0x4A00] =	vst v9  }
0x9e: {  	v56 =	vld [tilespmem:s26+$0x43C0];
	[tilespmem:s26+$0x4AA0] =	vst v19;
	v19 =	vadd.s32 v19, v58  }
0x9f: {  	v55 =	vld [tilespmem:s26+$0x4460];
	[tilespmem:s26+$0x4B40] =	vst v19;
	v19 =	vadd.s32 v19, v59  }
0xa0: {  	v54 =	vld [tilespmem:s26+$0x4500];
	[tilespmem:s26+$0x4BE0] =	vst v19;
	v19 =	vadd.s32 v19, v61  }
0xa1: {  	v53 =	vld [tilespmem:s26+$0x45A0];
	[tilespmem:s26+$0x4C80] =	vst v19;
	v19 =	vadd.s32 v19, v62  }
0xa2: {  	v52 =	vld [tilespmem:s26+$0x4640];
	[tilespmem:s26+$0x4D20] =	vst v19;
	v19 =	vadd.s32 v19, v63  }
0xa3: {  	v10 =	vld [tilespmem:s26+$0x46E0];
	[tilespmem:s26+$0x4DC0] =	vst v19;
	v18 =	vadd.s32 v19, v56  }
0xa4: {  	v11 =	vld [tilespmem:s26+$0x4780];
	[tilespmem:s26+$0x4E60] =	vst v18;
	v17 =	vadd.s32 v18, v55  }
0xa5: {  	v51 =	vld [tilespmem:s26+$0x4820];
	[tilespmem:s26+$0x4F00] =	vst v17;
	v16 =	vadd.s32 v17, v54  }
0xa6: {  	v12 =	vld [tilespmem:s26+$0x48C0];
	[tilespmem:s26+$0x4FA0] =	vst v16;
	v15 =	vadd.s32 v16, v53  }
0xa7: {  	[tilespmem:s26+$0x5040] =	vst v15;
	v14 =	vadd.s32 v15, v52  }
0xa8: {  	[tilespmem:s26+$0x50E0] =	vst v14;
	v10 =	vadd.s32 v14, v10  }
0xa9: {  	[tilespmem:s26+$0x5180] =	vst v10;
	v10 =	vadd.s32 v10, v11  }
0xaa: {  	[tilespmem:s26+$0x5220] =	vst v10;
	v10 =	vadd.s32 v10, v51  }
0xab: {  	[tilespmem:s26+$0x52C0] =	vst v10;
	v10 =	vadd.s32 v10, v12  }
0xac: {  	s31 =	spop (v2sf);
	[tilespmem:s26+$0x5360] =	vst v10  }
.LBB2_9:
0xad: {  	s0 =	sand.u32 $0x3FF0, s24  }
0xae: {  	v9 =	vld [tilespmem:s0+$0x0];
	_ =	sdelay $0x4  }
0xaf: {  	v10 =	vshra.s32 v9, $0x8  }
0xb0: {  	v10 =	vmul.u32 $0x2AB, v10;
	_ =	sdelay $0x1  }
0xb1: {  	v10 =	vshra.s32 v10, $0xB  }
0xb2: {  	vm0 =	vlt.s32 v10, $0x82  }
0xb3: {  	v10 =	vnsel vm0, $0x82, v10  }
0xb4: {  	vm15 =	vgt.s32 v9, $0x1867F;
	v11 =	vadd.s32 v1, v10  }
0xb5: {  	v11 =	vsel vm15, v4, v11;
	_ =	sdelay $0x4  }
0xb6: {  	v12 =	vld.idx.msk [tilespmem:v11+s14+$0x0], $0xffff  }
0xb7: {  	v13 =	vmov s24  }
0xb8: {  	v13 =	vmul.u32 $0x1A, v13;
	_ =	sdelay $0x1  }
0xb9: {  	v13 =	vadd.s32 v2, v13  }
0xba: {  	v13 =	vbroadcast v13, $0x0;
	v14 =	vshll.u32 v12, $0x3  }
0xbb: {  	v15 =	vand.u32 $0xFFFFF87F, v12;
	v63 =	vshrl.u32 v12, $0x1;
	v14 =	vand.u32 $0x400, v14  }
0xbc: {  	v10 =	vmul.u32 $0xFFFFFD00, v10;
	v14 =	vor.u32 v14, v15;
	v15 =	vand.u32 $0x380, v63  }
0xbd: {  	v14 =	vor.u32 v15, v14  }
0xbe: {  	p0 =	sne.s32 s24, $0x3FF0;
	v13 =	vadd.s32 v5, v13;
	v10 =	vsel vm15, $0xFFFE7980, v10  }
.Ltmp6:
0xbf: {  	v9 =	vadd.s32 v9, v10;
	v10 =	vshll.u32 v13, $0xA;
	(pc) =	sbr.rel @p0 .LBB2_9-.Ltmp6, $4  }
0xc0: {  	v9 =	vor.u32 v10, v9  }
0xc1: {  	[tilespmem:v12+s15+$0x0] =	vst.idx.msk $0xffff, v9  }
0xc2: {  	v9 =	vadd.s32 $0x1, v12;
	[tilespmem:v14+s16+$0x0] =	vst.idx.msk $0xffff, v13  }
0xc3: {  	s24 =	sadd.s32 $0x10, s24;
	[tilespmem:v11+s14+$0x0] =	vst.idx.msk $0xffff, v9  }
.Ltmp7:
0xc4: {  	(pc) =	sbr.rel .LBB2_12-.Ltmp7, $3  }
0xc5: {  	_ =	sdelay $0x1  }
0xc6: {  	s0 =	simm.s32 $0x1800;
	s1 =	simm.s32 $0xC3800;
	s24 =	simm.s32 $0x0  }
0xc7: {  	[tilespmem:s19], [sflag:$0x1] =	stream.strided.gather [hbm4b:s5+s0], $0x6000, s1, s0, $0x38;
	[tilespmem:$0x1D580] =	vst v63  }
.LBB2_22:
0xc8: {  	_ = 	snop  }
.LBB2_27:
0xc9: {  	p1 =	por p2, !p0  }
0xca: {  	[sflag:s1] =	ssyncset.done @!p1 $0x0  }
0xcb: {  	s17 =	sshra.s32 s25, $0x2;
	[sflag:s1] =	ssyncadd.s32 @!p1 $0xFFFFE000;
	s1 =	spop @p0 (v2sf)  }
0xcc: {  	v11 =	vld [tilespmem:s17+$0x5501];
	s28 =	smov.u32 @p0 s1  }
0xcd: {  	s1 =	sand.u32 $0x3FF, s28  }
0xce: {  	v12 =	vmov s1  }
0xcf: {  	v13 =	vand.u32 $0x7F, v12;
	v12 =	vshll.u32 v12, $0x3  }
0xd0: {  	v12 =	vand.u32 $0x1C00, v12;
	v9 =	vor.u32 v13, v9  }
0xd1: {  	v10 =	vor.u32 v13, v10;
	v9 =	vadd.s32 v12, v9;
	(v2sf) =	vpush v11, $0x0  }
0xd2: {  	v10 =	vadd.s32 v12, v10  }
0xd3: {  	s28 =	sshll.u32 s0, $0x5  }
0xd4: {  	s29 =	sand.u32 $0x60, s26;
	s1 =	sand.u32 $0x3F80, s28  }
0xd5: {  	s1 =	sor.u32 s29, s1  }
0xd6: {  	v11 =	vor.u32 s1, v0;
	v9 =	vld.idx.msk [tilespmem:v9+s19+$0x0], $0xffff  }
0xd7: {  	s30 =	sand.u32 $0xFF, s0;
	v63 =	vor.u32 s1, v8;
	v10 =	vld.idx.msk [tilespmem:v10+s19+$0x0], $0xffff  }
0xd8: {  	p0 =	sne.s32 s30, $0xFF  }
0xd9: {  	s0 =	sshra.s32 @!p0 s0, $0x8  }
0xda: {  	s17 =	sshll.u32 @!p0 s0, $0xD;
	p1 =	slt.s32 @!p0 s0, $0x1;
	s1 =	sand.u32 @!p0 $0xFFFFFC00, s25  }
0xdb: {  	p1 =	por p1, p0;
	s0 =	sadd.s32 @!p0 s1, s8;
	s1 =	sand.u32 @!p0 $0x2000, s17;
	[tilespmem:v11+s21+$0x0] =	vst.idx.msk $0xffff, v9  }
0xdc: {  	s18 =	simm.s32 @!p1 $0x2;
	s17 =	simm.s32 @!p0 $0x0;
	s1 =	sor.u32 @!p0 $0x19580, s1;
	[tilespmem:v63+s21+$0x0] =	vst.idx.msk $0xffff, v10  }
0xdd: {  	[hbm4b:s0+s17] =	stream.linear.scatter @!p0 [tilespmem:s1], [sflag:$0x2], $0x2000, $0x38;
	[tilespmem:$0x1D580] =	vst v63  }
0xde: {  	_ =	swait.ge @!p1 [sflag:s18], $0x2000  }
0xdf: {  	[sflag:s18] =	ssyncset.done @!p1 $0x0  }
0xe0: {  	[sflag:s18] =	ssyncadd.s32 @!p1 $0xFFFFE000;
	s31 =	spop (v2sf)  }
.LBB2_11:
0xe1: {  	p0 =	seq.s32 s24, $0x84  }
.Ltmp8:
0xe2: {  	_ = 	snop;
	(pc) =	sbr.rel @p0 .LBB2_28-.Ltmp8, $1  }
0xe3: {  	_ =	sdelay $0x3  }
.LBB2_12:
0xe4: {  	p0 =	seq.s32 s24, $0x83  }
.Ltmp9:
0xe5: {  	_ = 	snop;
	(pc) =	sbr.rel @p0 .LBB2_19-.Ltmp9, $2  }
0xe6: {  	_ =	sdelay $0x2  }
0xe7: {  	s0 =	smov.u32 s24;
	s25 =	sand.u32 $0x1, s24;
	s24 =	sadd.s32 $0x1, s24  }
0xe8: {  	p0 =	sgt.u32 s0, $0x80  }
0xe9: {  	s1 =	sxor.u32 $0x1, s25;
	s26 =	smul.u32 @!p0 $0x1800, s24  }
0xea: {  	s28 =	smul.u32 @!p0 $0x18000, s1  }
0xeb: {  	s26 =	sadd.s32 @!p0 s4, s26  }
0xec: {  	s29 =	simm.s32 @!p0 $0x1800;
	s28 =	sshrl.u32 @!p0 s28, $0x2;
	s26 =	sshrl.u32 @!p0 s26, $0x3  }
0xed: {  	s30 =	simm.s32 @!p0 $0xC3800;
	s28 =	sadd.s32 @!p0 $0xD580, s28;
	s26 =	sadd.s32 @!p0 s2, s26  }
0xee: {  	[tilespmem:s28], [sflag:$0x1] =	stream.strided.gather @!p0 [hbm4b:s26+s29], $0x6000, s30, s29, $0x38;
	[tilespmem:$0x1D580] =	vst v63  }
0xef: {  	p0 =	seq.s32 s24, $0x82  }
.Ltmp10:
0xf0: {  	_ = 	snop;
	(pc) =	sbr.rel @p0 .LBB2_14-.Ltmp10, $1  }
0xf1: {  	_ =	sdelay $0x3  }
0xf2: {  	p0 =	sne.s32 s24, $0x83  }
.Ltmp11:
0xf3: {  	_ = 	snop;
	(pc) =	sbr.rel @p0 .LBB2_18-.Ltmp11, $1  }
0xf4: {  	_ =	sdelay $0x3  }
.Ltmp12:
0xf5: {  	(pc) =	sbr.rel .LBB2_17-.Ltmp12, $3  }
0xf6: {  	_ =	sdelay $0x1  }
0xf7: {  	s26 =	simm.s32 $0x180  }
0xf8: {  	s28 =	simm.s32 $0x100;
	s30 =	simm.s32 $0x80;
	s29 =	smov.u32 s6  }
.LBB2_14:
0xf9: {  	s26 =	simm.s32 $0x49500  }
0xfa: {  	s28 =	simm.s32 $0x30E00;
	s30 =	simm.s32 $0x18700;
	s29 =	smov.u32 s7  }
.LBB2_17:
0xfb: {  	s1 =	smul.u32 $0x18000, s1;
	_ =	sdelay $0x1  }
0xfc: {  	s1 =	sshrl.u32 s1, $0x2  }
0xfd: {  	s31 =	sadd.s32 $0xD580, s1  }
0xfe: {  	[tilespmem:s31], [sflag:$0x1] =	stream.linear.gather [hbm4b:s29+s3], $0x400, $0x38;
	[tilespmem:$0x1D580] =	vst v63  }
0xff: {  	s30 =	sadd.s32 s30, s29;
	s18 =	sadd.s32 $0xED80, s1  }
0x100: {  	[tilespmem:s18], [sflag:$0x1] =	stream.linear.gather [hbm4b:s30+s3], $0x400, $0x38;
	[tilespmem:$0x1D580] =	vst v63  }
0x101: {  	s28 =	sadd.s32 s28, s29;
	s31 =	sor.u32 $0x10580, s1  }
0x102: {  	[tilespmem:s31], [sflag:$0x1] =	stream.linear.gather [hbm4b:s28+s3], $0x400, $0x38;
	[tilespmem:$0x1D580] =	vst v63  }
0x103: {  	s26 =	sadd.s32 s26, s29;
	s1 =	sor.u32 $0x11D80, s1  }
0x104: {  	[tilespmem:s1], [sflag:$0x1] =	stream.linear.gather [hbm4b:s26+s3], $0x400, $0x38;
	[tilespmem:$0x1D580] =	vst v63  }
.LBB2_18:
0x105: {  	p1 =	sne.s32 s0, $0x82  }
.Ltmp13:
0x106: {  	p0 =	sgt.u32 s0, $0x81;
	(pc) =	sbr.rel @p1 .LBB2_20-.Ltmp13, $4  }
0x107: {  	s1 =	simm.s32 @!p0 $0x1  }
0x108: {  	_ =	swait.ge @!p0 [sflag:s1], $0x6000  }
0x109: {  	[sflag:s1] =	ssyncset.done @!p0 $0x0  }
0x10a: {  	[sflag:s1] =	ssyncadd.s32 @!p0 $0xFFFFA000  }
.LBB2_19:
0x10b: {  	_ =	swait.ge [sflag:s20], $0x1000  }
0x10c: {  	[sflag:s20] =	ssyncset.done $0x0  }
0x10d: {  	[sflag:s20] =	ssyncadd.s32 $0xFFFFF000  }
.LBB2_20:
0x10e: {  	v9 =	vld [tilespmem:s0+$0x5400];
	_ =	sdelay $0x4  }
0x10f: {  	(v2sf) =	vpush v9, $0x0  }
0x110: {  	(v2sf) =	vpush v9, $0x1;
	_ =	sdelay $0xd  }
0x111: {  	s0 =	spop (v2sf)  }
0x112: {  	s29 =	spop (v2sf)  }
0x113: {  	p0 =	sge.s32 s0, s29  }
.Ltmp14:
0x114: {  	_ = 	snop;
	(pc) =	sbr.rel @p0 .LBB2_11-.Ltmp14, $1  }
0x115: {  	_ =	sdelay $0x3  }
0x116: {  	v9 =	vld [tilespmem:s0+$0x5500];
	_ =	sdelay $0x4  }
0x117: {  	(v2sf) =	vpush v9, $0x0;
	_ =	sdelay $0x8  }
0x118: {  	s30 =	sadd.s32 $0x1, s0  }
0x119: {  	p1 =	seq.s32 s29, s30;
	v9 =	vmov s25  }
.Ltmp15:
0x11a: {  	v9 =	vmul.u32 $0x6000, v9;
	(pc) =	sbr.rel @p1 .LBB2_22-.Ltmp15, $4  }
0x11b: {  	_ = 	snop  }
0x11c: {  	v10 =	vbroadcast v9, $0x0  }
0x11d: {  	s26 =	sshll.u32 s0, $0x5  }
0x11e: {  	p0 =	por $0x0, $0x0;
	s25 =	sshll.u32 s0, $0x2;
	v9 =	vor.u32 v6, v10;
	v10 =	vadd.s32 v7, v10;
	s28 =	spop (v2sf)  }
0x11f: {  	s1 =	sand.u32 $0x3FF, s28;
	s17 =	sshll.u32 s0, $0x5  }
0x120: {  	s31 =	sand.u32 $0x60, s26;
	v11 =	vmov s1;
	s1 =	sand.u32 $0x3F80, s17  }
0x121: {  	s1 =	sor.u32 s31, s1;
	s31 =	sshra.s32 s25, $0x2  }
0x122: {  	v15 =	vld [tilespmem:s31+$0x5501];
	_ =	sdelay $0x1  }
0x123: {  	v12 =	vand.u32 $0x7F, v11;
	v11 =	vshll.u32 v11, $0x3  }
0x124: {  	v11 =	vand.u32 $0x1C00, v11;
	v13 =	vor.u32 v12, v9  }
0x125: {  	v12 =	vor.u32 v12, v10;
	v13 =	vadd.s32 v11, v13  }
0x126: {  	v11 =	vadd.s32 v11, v12;
	(v2sf) =	vpush v15, $0x0;
	_ =	sdelay $0x2  }
0x127: {  	s18 =	sand.u32 $0xFF, s0  }
0x128: {  	p0 =	sne.s32 s18, $0xFF;
	v63 =	vor.u32 s1, v0;
	v62 =	vld.idx.msk [tilespmem:v13+s19+$0x0], $0xffff  }
0x129: {  	s0 =	sshra.s32 @!p0 s0, $0x8;
	v14 =	vor.u32 s1, v8;
	v11 =	vld.idx.msk [tilespmem:v11+s19+$0x0], $0xffff  }
0x12a: {  	s31 =	sadd.s32 $0x1, s30;
	p1 =	slt.s32 @!p0 s0, $0x1  }
0x12b: {  	p2 =	por p1, p0;
	p1 =	seq.s32 s29, s31  }
.Ltmp16:
0x12c: {  	s1 =	sand.u32 @!p0 $0xFFFFFC00, s25;
	s17 =	sshll.u32 @!p0 s0, $0xD;
	(pc) =	sbr.rel @p1 .LBB2_24-.Ltmp16, $4  }
0x12d: {  	s26 =	sadd.s32 $0x20, s26;
	s0 =	sadd.s32 @!p0 s1, s8;
	s1 =	sand.u32 @!p0 $0x2000, s17;
	[tilespmem:v63+s21+$0x0] =	vst.idx.msk $0xffff, v62  }
0x12e: {  	s18 =	simm.s32 @!p0 $0x0;
	s17 =	sor.u32 @!p0 $0x19580, s1;
	s1 =	simm.s32 @!p2 $0x2;
	[tilespmem:v14+s21+$0x0] =	vst.idx.msk $0xffff, v11  }
0x12f: {  	[hbm4b:s0+s18] =	stream.linear.scatter @!p0 [tilespmem:s17], [sflag:$0x2], $0x2000, $0x38;
	[tilespmem:$0x1D580] =	vst v63  }
0x130: {  	s25 =	sadd.s32 $0x4, s25;
	p0 =	por $0x1, $0x1;
	_ =	swait.ge @!p2 [sflag:s1], $0x2000  }
.LBB2_25:
0x131: {  	s0 =	sshra.s32 s25, $0x2  }
0x132: {  	[sflag:s1] =	ssyncset.done @!p2 $0x0;
	s17 =	smov.u32 s31;
	s31 =	sadd.s32 $0x1, s31  }
0x133: {  	p1 =	seq.s32 s29, s31;
	[sflag:s1] =	ssyncadd.s32 @!p2 $0xFFFFE000;
	s1 =	spop (v2sf)  }
0x134: {  	v11 =	vld [tilespmem:s0+$0x5501];
	s0 =	sand.u32 $0x3FF, s1  }
0x135: {  	v12 =	vmov s0  }
0x136: {  	v13 =	vand.u32 $0x7F, v12;
	v12 =	vshll.u32 v12, $0x3  }
0x137: {  	v12 =	vand.u32 $0x1C00, v12;
	v14 =	vor.u32 v13, v9;
	v13 =	vor.u32 v13, v10  }
0x138: {  	v14 =	vadd.s32 v12, v14;
	v12 =	vadd.s32 v12, v13  }
0x139: {  	(v2sf) =	vpush v11, $0x0  }
0x13a: {  	s0 =	sshll.u32 s30, $0x5  }
0x13b: {  	s1 =	sand.u32 $0x60, s26;
	s0 =	sand.u32 $0x3F80, s0  }
0x13c: {  	s0 =	sor.u32 s1, s0  }
0x13d: {  	v13 =	vor.u32 s0, v0;
	v11 =	vld.idx.msk [tilespmem:v14+s19+$0x0], $0xffff  }
0x13e: {  	v14 =	vor.u32 s0, v8;
	s0 =	sand.u32 $0xFF, s30;
	v12 =	vld.idx.msk [tilespmem:v12+s19+$0x0], $0xffff  }
0x13f: {  	p3 =	sne.s32 s0, $0xFF  }
0x140: {  	s0 =	sshra.s32 @!p3 s30, $0x8;
	s1 =	sand.u32 @!p3 $0xFFFFFC00, s25;
	s30 =	smov.u32 s17  }
0x141: {  	s17 =	sshll.u32 @!p3 s0, $0xD;
	s18 =	sadd.s32 @!p3 s1, s8;
	p2 =	slt.s32 @!p3 s0, $0x1  }
.Ltmp17:
0x142: {  	s0 =	sand.u32 @!p3 $0x2000, s17;
	(pc) =	sbr.rel @!p1 .LBB2_25-.Ltmp17, $4  }
0x143: {  	s17 =	simm.s32 @!p3 $0x0;
	p2 =	por p2, p3;
	s0 =	sor.u32 @!p3 $0x19580, s0;
	[tilespmem:v13+s21+$0x0] =	vst.idx.msk $0xffff, v11  }
0x144: {  	s1 =	simm.s32 @!p2 $0x2;
	[tilespmem:v14+s21+$0x0] =	vst.idx.msk $0xffff, v12  }
0x145: {  	[hbm4b:s18+s17] =	stream.linear.scatter @!p3 [tilespmem:s0], [sflag:$0x2], $0x2000, $0x38;
	[tilespmem:$0x1D580] =	vst v63  }
0x146: {  	s26 =	sadd.s32 $0x20, s26;
	s25 =	sadd.s32 $0x4, s25;
	_ =	swait.ge @!p2 [sflag:s1], $0x2000  }
.Ltmp18:
0x147: {  	(pc) =	sbr.rel .LBB2_27-.Ltmp18, $2  }
0x148: {  	_ =	sdelay $0x2  }
0x149: {  	s0 =	smov.u32 s30  }
.LBB2_24:
.Ltmp19:
0x14a: {  	(pc) =	sbr.rel .LBB2_27-.Ltmp19, $2  }
0x14b: {  	_ =	sdelay $0x2  }
0x14c: {  	s0 =	smov.u32 s30  }
.LBB2_29:
0x14d: {  	_ =	sfence.sel $0x180000  }
0x14e: {  	[bflag:$0x0] =	sbarrier.arrive $0xFFFF  }
0x14f: {  	_ =	strace $0x90000047  }
0x150: {  	s0 =	stileid.u32;
	[bflag:$0x2] =	sbarrier.arrive $0xFFFF  }
0x151: {  	p0 =	sne.s32 s0, $0x0;
	s0 =	rddreg [dreg:$0x2]  }
0x152: {  	s0 =	sadd.s32 @!p0 $0x100000, s0  }
0x153: {  	[sflag:s0] =	ssyncadd.tile.s32 @!p0 $0x1;
	_ =	shalt  }
.Lfunc_end2:
_tile_overlayer_lowered:
.L_overlay_start_2:
0x154: {  	(tag) =	ssettag $0x2  }
0x155: {  	s0 =	rddreg [dreg:$0x0];
	s2 =	stileid.u32  }
0x156: {  	s1 =	rddreg [dreg:$0x1];
	p0 =	sne.s32 s2, $0x0  }
0x157: {  	s3 =	rddreg [dreg:$0x2];
	[bflag:$0x3] =	sbarrier.arrive $0xFFFF;
	s2 =	simm.s32 @!p0 $0x1C03  }
0x158: {  	[timem:s3], [sflag:s2] =	dma.local @!p0 [hbm:s0], s1  }
0x159: {  	s0 =	simm.s32 @!p0 $0x3  }
0x15a: {  	_ =	swait.ge @!p0 [sflag:s0], s1  }
0x15b: {  	s1 =	ssub.s32 @!p0 $0x0, s1;
	[sflag:s0] =	ssyncset.done @!p0 $0x0  }
0x15c: {  	[sflag:s0] =	ssyncadd.s32 @!p0 s1  }
0x15d: {  	[bflag:$0x3] =	sbarrier.arrive $0xFFFF  }
0x15e: {  	_ =	shalt  }

// kernel: kernel.8.cloned.1.call-start
scs
__scs_entry_jumppad:
0x0: {  	(pc) =	sbr.rel $0x88, $3  }
0x1: {  	(tag) =	ssettag $0x0;
	lr =	simm.s32 $0x1  }
0x2: {  	[smem:$0x3F8E] =	sst lr;
	_ =	strace $0xD0000000  }
0x3: {  	_ = 	snop  }
0x4: {  	_ = 	snop  }
0x5: {  	_ = 	snop  }
0x6: {  	_ = 	snop  }
0x7: {  	_ = 	snop  }
__scs_overlays_trampoline_lowered:
0x8: {  	[smem:$0x3F9D] =	sst s0  }
0x9: {  	[smem:$0x3F9E] =	sst s1  }
0xa: {  	[smem:$0x3F9F] =	sst s2  }
0xb: {  	[smem:$0x3FA0] =	sst s3  }
0xc: {  	[smem:$0x3FA1] =	sst s4  }
0xd: {  	[smem:$0x3FA2] =	sst s5  }
0xe: {  	[smem:$0x3FA3] =	sst s6  }
0xf: {  	[smem:$0x3FA4] =	sst s7  }
0x10: {  	[smem:$0x3FA5] =	sst s8  }
0x11: {  	[smem:$0x3FA6] =	sst s9;
	s0 =	simm.s32 @!p0 $0x0  }
0x12: {  	s1 =	sld [smem:$0x3F8C];
	s0 =	simm.s32 @p0 $0x1  }
0x13: {  	[smem:$0x3FA7] =	sst s0;
	s0 =	simm.s32 @!p1 $0x0  }
0x14: {  	s2 =	sld [smem:$0x3F8B];
	s0 =	simm.s32 @p1 $0x1  }
0x15: {  	[smem:$0x3FA8] =	sst s0;
	s0 =	simm.s32 @!p2 $0x0  }
0x16: {  	s3 =	sld [smem:$0x3FDB];
	s0 =	simm.s32 @p2 $0x1  }
0x17: {  	s4 =	simm.s32 $0x1BF5;
	[smem:$0x3FAA] =	sst s0  }
0x18: {  	s0 =	sld [smem:$0x3F8D];
	_ =	swait.ge [sflag:s4], $0x0  }
0x19: {  	s7 =	sld [smem:$0x3F8E]  }
0x1a: {  	s8 =	sadd.s32 $0xFFFFE003, lr  }
0x1b: {  	s9 =	sadd.s32 $0xFFFFFEF7, lr;
	s5 =	simm.s32 $0xFFFFFFFF;
	p2 =	slt.u32 s8, $0xFFFFF086  }
0x1c: {  	p1 =	slt.u32 s9, $0xF7A;
	s5 =	simm.s32 @!p2 $0x0  }
0x1d: {  	s5 =	simm.s32 @p1 $0x1;
	p0 =	seq.s32 s7, s2  }
0x1e: {  	s7 =	smul.u32 @!p0 $0xF7A, s2;
	p2 =	seq.s32 @!p0 s5, $0x0  }
0x1f: {  	s9 =	smul.u32 $0xF7A, s1;
	s8 =	simm.s32 @!p0 $0x1BF5;
	p2 =	por !p2, p0  }
0x20: {  	[sflag:s8] =	ssyncset.s32 @!p0 $0xFFFFF086;
	s6 =	sadd.s32 @!p0 s3, s7;
	s7 =	simm.s32 @!p0 $0x108  }
0x21: {  	s3 =	sadd.s32 s3, s9;
	s6 =	sadd.s32 @!p0 $0x88, s6;
	s7 =	simm.s32 @p2 $0x1082  }
0x22: {  	[simem:s7], [sflag:s8] =	dma.local @!p0 [hbm:s6], $0xF7A  }
0x23: {  	s9 =	sor.u32 $0xD0000000, s2;
	s6 =	simm.s32 $0x108;
	_ =	swait.ge @!p0 [sflag:s8], $0x0  }
0x24: {  	s3 =	sadd.s32 $0x88, s3;
	s6 =	simm.s32 @!p1 $0x1082;
	[sflag:s4] =	ssyncset.s32 $0xFFFFF086  }
0x25: {  	[simem:s6], [sflag:s4] =	dma.local [hbm:s3], $0xF7A  }
0x26: {  	[smem:$0x3F8E] =	sst s1;
	(tag) =	ssettag s2;
	_ =	strace s9  }
0x27: {  	s1 =	sld [smem:$0x3F9E]  }
0x28: {  	s2 =	sld [smem:$0x3F9F]  }
0x29: {  	s4 =	sld [smem:$0x3FA1]  }
0x2a: {  	p0 =	seq.s32 s5, $0x0;
	s5 =	sld [smem:$0x3FA2]  }
0x2b: {  	s6 =	sld [smem:$0x3FA3]  }
0x2c: {  	s7 =	sld [smem:$0x3FA4]  }
0x2d: {  	s3 =	simm.s32 $0x108;
	s8 =	sld [smem:$0x3FA5]  }
0x2e: {  	s3 =	simm.s32 @!p0 $0x1082;
	s9 =	sld [smem:$0x3FA6]  }
0x2f: {  	lr =	sadd.s32 s0, s3;
	s0 =	sld [smem:$0x3F9D]  }
0x30: {  	s3 =	sld [smem:$0x3FA0]  }
0x31: {  	[smem:$0x3FA9] =	sst s10  }
0x32: {  	s10 =	sld [smem:$0x3FA7];
	_ =	sdelay $0x3  }
0x33: {  	p0 =	seq.s32 s10, $0x1;
	s10 =	sld [smem:$0x3FA9];
	_ =	sdelay $0x3  }
0x34: {  	[smem:$0x3FA9] =	sst s10  }
0x35: {  	s10 =	sld [smem:$0x3FA8];
	_ =	sdelay $0x3  }
0x36: {  	p1 =	seq.s32 s10, $0x1;
	s10 =	sld [smem:$0x3FA9];
	_ =	sdelay $0x3  }
0x37: {  	[smem:$0x3FA9] =	sst s10  }
0x38: {  	s10 =	sld [smem:$0x3FAA]  }
0x39: {  	_ = 	snop;
	(pc) =	sbr.ind lr, $3  }
0x3a: {  	_ = 	snop  }
0x3b: {  	_ = 	snop  }
0x3c: {  	p2 =	seq.s32 s10, $0x1;
	s10 =	sld [smem:$0x3FA9]  }
0x3d: {  	_ =	shalt  }
0x3e: {  	_ =	shalt  }
0x3f: {  	_ =	shalt  }
0x40: {  	_ =	shalt  }
0x41: {  	_ =	shalt  }
0x42: {  	_ =	shalt  }
0x43: {  	_ =	shalt  }
0x44: {  	_ =	shalt  }
0x45: {  	_ =	shalt  }
0x46: {  	_ =	shalt  }
0x47: {  	_ =	shalt  }
0x48: {  	_ =	shalt  }
0x49: {  	_ =	shalt  }
0x4a: {  	_ =	shalt  }
0x4b: {  	_ =	shalt  }
0x4c: {  	_ =	shalt  }
0x4d: {  	_ =	shalt  }
0x4e: {  	_ =	shalt  }
0x4f: {  	_ =	shalt  }
0x50: {  	_ =	shalt  }
0x51: {  	_ =	shalt  }
0x52: {  	_ =	shalt  }
0x53: {  	_ =	shalt  }
0x54: {  	_ =	shalt  }
0x55: {  	_ =	shalt  }
0x56: {  	_ =	shalt  }
0x57: {  	_ =	shalt  }
0x58: {  	_ =	shalt  }
0x59: {  	_ =	shalt  }
0x5a: {  	_ =	shalt  }
0x5b: {  	_ =	shalt  }
0x5c: {  	_ =	shalt  }
0x5d: {  	_ =	shalt  }
0x5e: {  	_ =	shalt  }
0x5f: {  	_ =	shalt  }
0x60: {  	_ =	shalt  }
0x61: {  	_ =	shalt  }
0x62: {  	_ =	shalt  }
0x63: {  	_ =	shalt  }
0x64: {  	_ =	shalt  }
0x65: {  	_ =	shalt  }
0x66: {  	_ =	shalt  }
0x67: {  	_ =	shalt  }
0x68: {  	_ =	shalt  }
0x69: {  	_ =	shalt  }
0x6a: {  	_ =	shalt  }
0x6b: {  	_ =	shalt  }
0x6c: {  	_ =	shalt  }
0x6d: {  	_ =	shalt  }
0x6e: {  	_ =	shalt  }
0x6f: {  	_ =	shalt  }
0x70: {  	_ =	shalt  }
0x71: {  	_ =	shalt  }
0x72: {  	_ =	shalt  }
0x73: {  	_ =	shalt  }
0x74: {  	_ =	shalt  }
0x75: {  	_ =	shalt  }
0x76: {  	_ =	shalt  }
0x77: {  	_ =	shalt  }
0x78: {  	_ =	shalt  }
0x79: {  	_ =	shalt  }
0x7a: {  	_ =	shalt  }
0x7b: {  	_ =	shalt  }
0x7c: {  	_ =	shalt  }
0x7d: {  	_ =	shalt  }
0x7e: {  	_ =	shalt  }
0x7f: {  	_ =	shalt  }
0x80: {  	_ =	shalt  }
0x81: {  	_ =	shalt  }
0x82: {  	_ =	shalt  }
0x83: {  	_ =	shalt  }
0x84: {  	_ =	shalt  }
0x85: {  	_ =	shalt  }
0x86: {  	_ =	shalt  }
0x87: {  	_ =	shalt  }
.Lfunc_end0:
.L_simem_size_0:
called_computation.1_lowered:
.L_overlay_start_0:
0x88: {  	s2 =	sld [smem:$0x3FD9]  }
0x89: {  	s3 =	sld [smem:$0x3FFE];
	_ =	sdelay $0x1  }
0x8a: {  	s1 =	srdreg.scid  }
0x8b: {  	s0 =	sand.u32 $0x1, s1  }
0x8c: {  	s16 =	sshll.u32 s0, $0xA;
	s2 =	sadd.s32 s3, s2  }
0x8d: {  	s2 =	sadd.s32 s2, s16  }
0x8e: {  	[smem:$0x3FB5] =	sst s2  }
0x8f: {  	_ = 	snop  }
0x90: {  	(tm) =	ssettm $0x1  }
0x91: {  	s17 =	sld [smem:$0x3FFB];
	_ =	sdelay $0x3  }
0x92: {  	_ =	strace s17  }
0x93: {  	s2 =	sld [smem:$0x3FFC];
	_ =	sdelay $0x3  }
0x94: {  	_ =	strace s2  }
0x95: {  	s2 =	sld [smem:$0x3FFD];
	_ =	sdelay $0x3  }
0x96: {  	_ =	strace s2  }
0x97: {  	_ =	strace $0x8FFFFFFF  }
0x98: {  	s18 =	sld [smem:$0x3FDB];
	_ =	sdelay $0x1  }
0x99: {  	s19 =	simm.s32 $_scs_section_size  }
0x9a: {  	s4 =	simm.s32 $_size__tile_overlayer_lowered;
	s5 =	simm.s32 $_tile_overlayer_lowered  }
0x9b: {  	s22 =	simm.s32 $0x1BFF;
	s21 =	sshll.u32 s5, $0x1;
	s2 =	sadd.s32 s19, s18  }
0x9c: {  	s6 =	simm.s32 $0x0;
	s20 =	sshll.u32 s4, $0x1;
	s4 =	sadd.s32 s21, s2  }
0x9d: {  	[timem:s6], [sflag:s22] =	dma.local [hbm:s4], s20  }
0x9e: {  	_ =	swait.ge [sflag:s22], s20  }
0x9f: {  	s3 =	ssub.s32 $0x0, s20;
	[sflag:s22] =	ssyncset.done $0x0  }
0xa0: {  	[sflag:s22] =	ssyncadd.s32 s3;
	_ =	sdelay $0x1  }
0xa1: {  	s23 =	simm.s32 $0x1B8B  }
0xa2: {  	_ =	swait.ge [sflag:s23], $0x1  }
0xa3: {  	[sflag:s23] =	ssyncset.done $0x0  }
0xa4: {  	s25 =	simm.s32 $0x1B8E;
	s24 =	sld [smem:$0x3FFE];
	[sflag:s23] =	ssyncadd.s32 $0xFFFFFFFF  }
0xa5: {  	s26 =	simm.s32 $execute0_lowered;
	[smem:$0x3FD2] =	sst s25  }
0xa6: {  	s4 =	sshll.u32 s26, $0x1;
	_ =	strace $0x80000049;
	[dreg:$0x1] =	wrdreg $0xFFFFFFFF  }
0xa7: {  	s28 =	simm.s32 $_size_execute0_lowered;
	s2 =	sadd.s32 s2, s4;
	[dreg:$0x0] =	wrdreg $0x0  }
0xa8: {  	s4 =	sshll.u32 s28, $0x1;
	[dreg:$0x2] =	wrdreg s2  }
0xa9: {  	[dreg:$0x3] =	wrdreg s4  }
0xaa: {  	[dreg:$0x4] =	wrdreg $0xC0  }
0xab: {  	_ =	task [dreg:s6], $0x5FFFF  }
0xac: {  	[dreg:$0x1] =	wrdreg $0xFFFFFFFF  }
0xad: {  	[dreg:$0x0] =	wrdreg $0x60  }
0xae: {  	[dreg:$0x2] =	wrdreg s24  }
0xaf: {  	[dreg:$0x3] =	wrdreg $0x9  }
0xb0: {  	_ =	task.clear_ibuf [dreg:s6], $0x4FFFF;
	_ =	strace $0x90000049  }
0xb1: {  	s29 =	simm.s32 $0x9;
	_ =	strace $0x8000004B  }
0xb2: {  	_ =	swait.ge [sflag:s29], $0x1  }
0xb3: {  	[sflag:s29] =	ssyncadd.s32 $0xFFFFFFFF  }
0xb4: {  	_ =	strace $0x9000004B  }
0xb5: {  	_ =	sfence  }
0xb6: {  	s30 =	sld [smem:$0x0];
	_ =	sdelay $0x2  }
0xb7: {  	s31 =	sshll.u32 s1, $0xD;
	s1 =	sshrl.u32 s1, $0x2  }
0xb8: {  	s3 =	sand.u32 $0x4000, s31;
	s1 =	sadd.s32 s1, s30  }
0xb9: {  	s0 =	sor.u32 s3, s0;
	s1 =	sshll.u32 s1, $0x11  }
0xba: {  	s0 =	sor.u32 s1, s0  }
0xbb: {  	s0 =	sadd.s32 $0x8F2B, s0  }
0xbc: {  	[sflag:s0] =	ssyncadd.remote.s32 $0x1  }
0xbd: {  	_ =	sfence.sel $0xFFFF  }
0xbe: {  	[dreg:$0x0] =	wrdreg $0xFFFFFFFF;
	(pc) =	sbr.abs _section_cstart, $3  }
0xbf: {  	[dreg:$0x1] =	wrdreg $0xFFFFFFFF  }
0xc0: {  	_ =	task.clear_ibuf [dreg:s6], $0x2FFFF;
	_ =	strace $0x9FFFFFFF  }
0xc1: {  	(tm) =	ssettm $0x7FFFFFFF  }
tec
execute0_lowered:
.L_overlay_start_1:
0x0: {  	(tag) =	ssettag $0x1  }
0x1: {  	s1 =	srdreg.scid  }
0x2: {  	s0 =	stileid.u32;
	s7 =	rddreg [dreg:$0x0]  }
0x3: {  	s2 =	simm.s32 $0x0;
	s10 =	simm.s32 $0x3400;
	s11 =	simm.s32 $0x1  }
0x4: {  	s12 =	simm.s32 $0x80;
	s3 =	sand.u32 $0x1, s1;
	s30 =	sshll.u32 s0, $0x1  }
0x5: {  	s13 =	simm.s32 $0x2;
	s1 =	rddreg [dreg:$0x1];
	s4 =	sor.u32 s3, s30  }
0x6: {  	s14 =	simm.s32 $0x0;
	[smem:$0x7FF] =	sst s2;
	s6 =	smul.u32 $0x680, s4  }
.Ltmp0:
0x7: {  	_ =	strace $0x8000004A;
	s31 =	ssub.s32 $0x2, s3;
	(pc) =	sbr.rel .LBB2_1-.Ltmp0, $4  }
0x8: {  	s3 =	sadd.s32 $0x1BFE00, s7;
	s5 =	smul.u32 $0xD000, s4;
	s9 =	sshrl.u32 s31, $0x1  }
0x9: {  	s4 =	smul.u32 $0x68, s4;
	s9 =	ssub.s32 s31, s9;
	s6 =	sadd.s32 s6, s7  }
0xa: {  	s8 =	sadd.s32 s5, s7;
	s7 =	sadd.s32 $0x20000, s7;
	s5 =	sadd.s32 $0x2A00, s6  }
0xb: {  	s6 =	sadd.s32 $0x1FE00, s8;
	s8 =	smax.u32 s9, $0x1;
	s9 =	simm.s32 $0x3  }
.LBB2_5:
0xc: {  	s14 =	sadd.s32 $0x1, s14  }
0xd: {  	p0 =	sne.s32 s14, s8  }
.Ltmp1:
0xe: {  	_ = 	snop;
	(pc) =	sbr.rel @!p0 .LBB2_6-.Ltmp1, $4  }
0xf: {  	_ = 	snop  }
0x10: {  	_ =	swait.ge [sflag:s13], $0x1000  }
0x11: {  	[sflag:s13] =	ssyncset.done $0x0  }
0x12: {  	[sflag:s13] =	ssyncadd.s32 $0xFFFFF000  }
.LBB2_1:
0x13: {  	[tilespmem:s2], [sflag:$0x3] =	stream.linear.gather [hbm4b:s5+s2], $0x3400, $0x38;
	[tilespmem:$0x5400] =	vst v63  }
.Ltmp2:
0x14: {  	_ = 	snop;
	(pc) =	sbr.rel .LBB2_2-.Ltmp2, $4  }
0x15: {  	_ =	swait.ge [sflag:s9], $0x3400  }
0x16: {  	[sflag:s9] =	ssyncset.done $0x0  }
0x17: {  	s15 =	simm.s32 $0x0;
	[sflag:s9] =	ssyncadd.s32 $0xFFFFCC00  }
0x18: {  	[tilespmem:s10], [sflag:$0x1] =	stream.linear.gather [hbm4b:s6+s2], $0x1000, $0x38;
	[tilespmem:$0x5400] =	vst v63  }
.LBB2_4:
0x19: {  	p0 =	slt.u32 s17, $0x68  }
.Ltmp3:
0x1a: {  	_ =	swait.ge [sflag:s11], $0x1000;
	(pc) =	sbr.rel @!p0 .LBB2_5-.Ltmp3, $4  }
0x1b: {  	s16 =	sshll.u32 s16, $0xC;
	s15 =	sshll.u32 s15, $0x7;
	[sflag:s11] =	ssyncset.done $0x0  }
0x1c: {  	s16 =	sadd.s32 $0x3400, s16;
	s15 =	sand.u32 $0x3FFFFF80, s15;
	[sflag:s11] =	ssyncadd.s32 $0xFFFFF000  }
0x1d: {  	[hbm4b:s3+s12] =	stream.indirect.scatter [tilespmem:s16], [sflag:$0x2], $0x20, s15, s12, $0xb8;
	[tilespmem:$0x5400] =	vst v63  }
0x1e: {  	s15 =	smov.u32 s17  }
.LBB2_2:
0x1f: {  	p0 =	seq.s32 s15, $0x0  }
0x20: {  	p1 =	seq.s32 @!p0 s15, $0x67  }
0x21: {  	p1 =	por p0, !p1  }
.Ltmp4:
0x22: {  	_ = 	snop;
	(pc) =	sbr.rel @!p1 .LBB2_4-.Ltmp4, $4  }
0x23: {  	s17 =	simm.s32 @!p0 $0x2  }
0x24: {  	_ =	swait.ge @!p0 [sflag:s17], $0x1000  }
0x25: {  	[sflag:s17] =	ssyncset.done @!p0 $0x0  }
0x26: {  	s16 =	sand.u32 $0x1, s15;
	[sflag:s17] =	ssyncadd.s32 @!p0 $0xFFFFF000;
	s17 =	simm.s32 @!p0 $0x68  }
0x27: {  	s17 =	sshll.u32 s16, $0xC;
	s18 =	sadd.s32 s4, s15  }
.Ltmp5:
0x28: {  	s17 =	sxor.u32 $0x1000, s17;
	s18 =	sshll.u32 s18, $0x9;
	(pc) =	sbr.rel .LBB2_4-.Ltmp5, $4  }
0x29: {  	s17 =	sadd.s32 $0x3400, s17;
	s18 =	sadd.s32 s18, s7  }
0x2a: {  	[tilespmem:s17], [sflag:$0x1] =	stream.linear.gather [hbm4b:s18+s2], $0x1000, $0x38;
	[tilespmem:$0x5400] =	vst v63  }
0x2b: {  	s17 =	sadd.s32 @!p0 $0x1, s15  }
0x2c: {  	s17 =	simm.s32 @p0 $0x1  }
.LBB2_6:
0x2d: {  	_ =	sfence.sel $0x180000  }
0x2e: {  	[bflag:$0x0] =	sbarrier.arrive $0xFFFF  }
0x2f: {  	p0 =	sne.s32 s0, $0x0;
	_ =	strace $0x9000004A  }
0x30: {  	s0 =	sadd.s32 @!p0 $0x100000, s1;
	[bflag:$0x2] =	sbarrier.arrive $0xFFFF  }
0x31: {  	[sflag:s0] =	ssyncadd.tile.s32 @!p0 $0x1;
	_ =	shalt  }
.Lfunc_end2:
_tile_overlayer_lowered:
.L_overlay_start_2:
0x32: {  	(tag) =	ssettag $0x2  }
0x33: {  	s0 =	rddreg [dreg:$0x0];
	s2 =	stileid.u32  }
0x34: {  	s1 =	rddreg [dreg:$0x1];
	p0 =	sne.s32 s2, $0x0  }
0x35: {  	s3 =	rddreg [dreg:$0x2];
	[bflag:$0x3] =	sbarrier.arrive $0xFFFF;
	s2 =	simm.s32 @!p0 $0x1C03  }
0x36: {  	[timem:s3], [sflag:s2] =	dma.local @!p0 [hbm:s0], s1  }
0x37: {  	s0 =	simm.s32 @!p0 $0x3  }
0x38: {  	_ =	swait.ge @!p0 [sflag:s0], s1  }
0x39: {  	s1 =	ssub.s32 @!p0 $0x0, s1;
	[sflag:s0] =	ssyncset.done @!p0 $0x0  }
0x3a: {  	[sflag:s0] =	ssyncadd.s32 @!p0 s1  }
0x3b: {  	[bflag:$0x3] =	sbarrier.arrive $0xFFFF  }
0x3c: {  	_ =	shalt  }

</sc_bundles>
